<compile_context>
chip_gen: v7x
topology: tpu7x:2x2x1
jax: 0.10.2.dev20260603
libtpu: 0.0.44.dev20260713+nightly
codegen_flags: <defaults>
</compile_context>

<pallas_src>
import functools
import jax
import jax.numpy as jnp
from jax import lax
from jax.experimental import pallas as pl
from jax.experimental.pallas import tpu as pltpu
from jax.experimental.pallas import tpu_sc as plsc

B, F, T = 1024, 512, 100
NLANE = 128
NC, NS = 2, 16
NW = NC * NS
FH = F // 2
BPW = B // (NW // 2)
VPB = FH // 16


def _enc16(xv):
    s = 1.0 / (1.0 + jnp.exp(-xv))
    v = (1.0 - s) * 99.0
    tr = v.astype(jnp.int32)
    frac = v - tr.astype(jnp.float32)
    gt = jnp.where(frac > 0.5, 1, 0).astype(jnp.int32)
    eq = jnp.where(frac == 0.5, 1, 0).astype(jnp.int32)
    up = gt | (eq & (tr & 1))
    lat = tr + up
    lat = jnp.minimum(jnp.maximum(lat, 0), 99)
    val = jnp.where(s > 0.5, 1.0, 0.0).astype(jnp.float32)
    return lat, val


def kernel(x):
    mesh = plsc.VectorSubcoreMesh(core_axis_name="c", subcore_axis_name="s")

    @functools.partial(
        pl.kernel,
        out_type=jax.ShapeDtypeStruct((B, F, NLANE), jnp.float32),
        mesh=mesh,
        scratch_types=[
            pltpu.VMEM((BPW, FH), jnp.float32),
            pltpu.VMEM((2, FH, NLANE), jnp.float32),
            pltpu.VMEM((2, FH), jnp.int32),
            pltpu.SemaphoreType.DMA((2,)),
        ],
        compiler_params=pltpu.CompilerParams(
            use_tc_tiling_on_sc=True, needs_layout_passes=False),
    )
    def enc(z_hbm, x_hbm, y_hbm, xbuf, rows, idxs, sems):
        wid = lax.axis_index("s") * NC + lax.axis_index("c")
        base = (wid // 2) * BPW
        f0 = (wid % 2) * FH
        pltpu.sync_copy(x_hbm.at[pl.ds(base, BPW), pl.ds(f0, FH)], xbuf)
        pltpu.sync_copy(z_hbm, rows.at[0])
        pltpu.sync_copy(z_hbm, rows.at[1])
        fidx0 = lax.broadcasted_iota(jnp.int32, (16,), 0)
        zval = jnp.zeros((16,), jnp.float32)

        def step(j, carry):
            k = j % 2

            @pl.when(j >= 2)
            def _drain_and_clear():
                pltpu.make_async_copy(
                    rows.at[k], y_hbm.at[base + j - 2, pl.ds(f0, FH)],
                    sems.at[k]).wait()
                for i in range(VPB):
                    old = idxs[k, pl.ds(16 * i, 16)]
                    plsc.store_scatter(rows.at[k], [fidx0 + 16 * i, old], zval)

            for i in range(VPB):
                lat, val = _enc16(xbuf[j, pl.ds(16 * i, 16)])
                idxs[k, pl.ds(16 * i, 16)] = lat
                plsc.store_scatter(rows.at[k], [fidx0 + 16 * i, lat], val)
            pltpu.async_copy(rows.at[k], y_hbm.at[base + j, pl.ds(f0, FH)],
                             sems.at[k])
            return carry

        lax.fori_loop(0, BPW, step, 0)
        for jj in (BPW - 2, BPW - 1):
            pltpu.make_async_copy(
                rows.at[jj % 2], y_hbm.at[base + jj, pl.ds(f0, FH)],
                sems.at[jj % 2]).wait()

    z = jnp.zeros((FH, NLANE), jnp.float32)
    y = enc(z, x)
    return y[:, :, :T]

# --- scband reference (transcript-rebuilt; emitter-appended) ---
"""Pipeline reference for scband-latency-encoder-44092134260941 (READ-ONLY COPY).

The authoritative reference and input builder live on the scoring server;
editing this copy changes nothing except your own understanding.
"""

import jax, jax.numpy as jnp
import numpy as np

INPUT_DIM = 512
TIME_STEPS = 100
MIN_LAT = 0
MAX_LAT = 99
THRESHOLD = 0.5
NOISE_STD = 0.0


def setup_inputs(seed: int = 0) -> dict:
    key = jax.random.key(seed)
    x = jax.random.normal(key, (1024, INPUT_DIM), dtype=jnp.float32)
    return {"x": x}


def reference(x):
    B, F = x.shape
    # noise_std == 0.0 so x_noisy == x (deterministic path)
    x_norm = jax.nn.sigmoid(x)
    latencies = MIN_LAT + (1.0 - x_norm) * (MAX_LAT - MIN_LAT)
    latencies = jnp.clip(jnp.round(latencies).astype(jnp.int32), MIN_LAT, MAX_LAT)
    # should_spike -> 1.0, else 0.0 (writing 0.0 into a zeros buffer matches the
    # original conditional write exactly since each (b,f) index is unique)
    vals = jnp.where(x_norm > THRESHOLD, 1.0, 0.0).astype(jnp.float32)
    b_idx = jnp.arange(B)[:, None]
    f_idx = jnp.arange(F)[None, :]
    spikes = jnp.zeros((B, F, TIME_STEPS), dtype=jnp.float32).at[b_idx, f_idx, latencies].set(vals)
    return spikes

if __name__ == "__main__":
    import jax
    _d = setup_inputs()
    print(jax.jit(kernel)(*tuple(_d.values())))

</pallas_src>

<mosaic_0001>
#map = affine_map<(d0, d1) -> (0, 0)>
#map1 = affine_map<(d0, d1) -> (0, 0, 0)>
module attributes {stable_mosaic.version = 14 : i64} {
  func.func @enc(%arg0: i32, %arg1: i32, %arg2: memref<256x128xf32, #tpu.memory_space<hbm>>, %arg3: memref<1024x512xf32, #tpu.memory_space<hbm>>, %arg4: memref<1024x512x128xf32, #tpu.memory_space<hbm>>, %arg5: memref<64x256xf32, #tpu.memory_space<vmem>>, %arg6: memref<2x256x128xf32, #tpu.memory_space<vmem>>, %arg7: memref<2x256xi32, #tpu.memory_space<vmem>>, %arg8: memref<2x!tpu.dma_semaphore, #tpu.memory_space<semaphore_mem>>) attributes {dimension_semantics = [#tpu.dimension_semantics<core_parallel>, #tpu.dimension_semantics<subcore_parallel>], iteration_bounds = array<i64: 2, 16>, scalar_prefetch = 0 : i64, scratch_operands = 4 : i64, tpu.core_type = #tpu.core_type<sc_vector_subcore>, window_params = [{transform_indices = #map}, {transform_indices = #map}, {transform_indices = #map1}]} {
    %mul3A = arith.constant 2 : i32
    %mul3A_0 = arith.muli %arg1, %mul3A : i32
    %add3A = arith.addi %mul3A_0, %arg0 : i32
    %jit3A = arith.constant 2 : i32
    %div3A = arith.divsi %add3A, %jit3A : i32
    %sign3A = arith.constant 0 : i32
    %sign3A_1 = arith.cmpi sgt, %add3A, %sign3A : i32
    %sign3A_2 = arith.extui %sign3A_1 : i1 to i32
    %sign3A_3 = arith.constant 0 : i32
    %sign3A_4 = arith.cmpi slt, %add3A, %sign3A_3 : i32
    %sign3A_5 = arith.extui %sign3A_4 : i1 to i32
    %sign3A_6 = arith.subi %sign3A_2, %sign3A_5 : i32
    %sign3A_7 = arith.constant 0 : i32
    %sign3A_8 = arith.cmpi sgt, %jit3A, %sign3A_7 : i32
    %sign3A_9 = arith.extui %sign3A_8 : i1 to i32
    %sign3A_10 = arith.constant 0 : i32
    %sign3A_11 = arith.cmpi slt, %jit3A, %sign3A_10 : i32
    %sign3A_12 = arith.extui %sign3A_11 : i1 to i32
    %sign3A_13 = arith.subi %sign3A_9, %sign3A_12 : i32
    %ne3A = arith.cmpi ne, %sign3A_6, %sign3A_13 : i32
    %rem3A = arith.remsi %add3A, %jit3A : i32
    %ne3A_14 = arith.constant 0 : i32
    %ne3A_15 = arith.cmpi ne, %rem3A, %ne3A_14 : i32
    %and3A = arith.andi %ne3A, %ne3A_15 : i1
    %sub3A = arith.constant 1 : i32
    %sub3A_16 = arith.subi %div3A, %sub3A : i32
    %select_n3A = arith.select %and3A, %sub3A_16, %div3A : i32
    %mul3A_17 = arith.constant 64 : i32
    %mul3A_18 = arith.muli %select_n3A, %mul3A_17 : i32
    %jit3A_19 = arith.constant 2 : i32
    %eq3A = arith.constant 0 : i32
    %eq3A_20 = arith.cmpi eq, %jit3A_19, %eq3A : i32
    %jit3A_21 = arith.constant 1 : i32
    %select_n3A_22 = arith.select %eq3A_20, %jit3A_21, %jit3A_19 : i32
    %rem3A_23 = arith.remsi %add3A, %select_n3A_22 : i32
    %ne3A_24 = arith.constant 0 : i32
    %ne3A_25 = arith.cmpi ne, %rem3A_23, %ne3A_24 : i32
    %lt3A = arith.constant 0 : i32
    %lt3A_26 = arith.cmpi slt, %rem3A_23, %lt3A : i32
    %lt3A_27 = arith.constant 0 : i32
    %lt3A_28 = arith.cmpi slt, %select_n3A_22, %lt3A_27 : i32
    %ne3A_29 = arith.xori %lt3A_26, %lt3A_28 : i1
    %and3A_30 = arith.andi %ne3A_29, %ne3A_25 : i1
    %add3A_31 = arith.addi %rem3A_23, %select_n3A_22 : i32
    %select_n3A_32 = arith.select %and3A_30, %add3A_31, %rem3A_23 : i32
    %mul3A_33 = arith.constant 256 : i32
    %mul3A_34 = arith.muli %select_n3A_32, %mul3A_33 : i32
    "tpu.region"() ({
      %run_scoped3A_81 = tpu.sem_alloc : memref<!tpu.dma_semaphore, #tpu.memory_space<semaphore_mem>>
      %dma_start3A = tpu.memref_slice %arg3[%mul3A_18, %mul3A_34] : memref<1024x512xf32, #tpu.memory_space<hbm>> -> memref<64x256xf32, #tpu.memory_space<hbm>>
      %dma_start3A_82 = tpu.memref_slice %arg3[%mul3A_18, %mul3A_34] : memref<1024x512xf32, #tpu.memory_space<hbm>> -> memref<64x256xf32, #tpu.memory_space<hbm>>
      tpu.enqueue_dma source(%dma_start3A_82 : memref<64x256xf32, #tpu.memory_space<hbm>>) target(%arg5 : memref<64x256xf32, #tpu.memory_space<vmem>>) target_semaphore(%run_scoped3A_81 : memref<!tpu.dma_semaphore, #tpu.memory_space<semaphore_mem>>)
      %dma_wait3A_83 = tpu.memref_slice %arg3[%mul3A_18, %mul3A_34] : memref<1024x512xf32, #tpu.memory_space<hbm>> -> memref<64x256xf32, #tpu.memory_space<hbm>>
      %dma_wait3A_84 = tpu.memref_slice %arg3[%mul3A_18, %mul3A_34] : memref<1024x512xf32, #tpu.memory_space<hbm>> -> memref<64x256xf32, #tpu.memory_space<hbm>>
      tpu.wait_dma2 semaphore(%run_scoped3A_81 : memref<!tpu.dma_semaphore, #tpu.memory_space<semaphore_mem>>) src(%dma_wait3A_84 : memref<64x256xf32, #tpu.memory_space<hbm>>) dst(%arg5 : memref<64x256xf32, #tpu.memory_space<vmem>>)
      tpu.yield
    }) : () -> ()
    %run_scoped3A = arith.constant 0 : i32
    "tpu.region"() ({
      %run_scoped3A_81 = tpu.sem_alloc : memref<!tpu.dma_semaphore, #tpu.memory_space<semaphore_mem>>
      %dma_start3A = arith.constant 0 : i32
      %dma_start3A_82 = arith.constant 0 : i32
      %dma_start3A_83 = tpu.memref_slice %arg6[%run_scoped3A, %dma_start3A, %dma_start3A_82] : memref<2x256x128xf32, #tpu.memory_space<vmem>> -> memref<1x256x128xf32, #tpu.memory_space<vmem>>
      %dma_start3A_84 = tpu.memref_squeeze %dma_start3A_83 : memref<1x256x128xf32, #tpu.memory_space<vmem>> -> memref<256x128xf32, #tpu.memory_space<vmem>>
      %dma_start3A_85 = arith.constant 0 : i32
      %dma_start3A_86 = arith.constant 0 : i32
      %dma_start3A_87 = tpu.memref_slice %arg6[%run_scoped3A, %dma_start3A_85, %dma_start3A_86] : memref<2x256x128xf32, #tpu.memory_space<vmem>> -> memref<1x256x128xf32, #tpu.memory_space<vmem>>
      %dma_start3A_88 = tpu.memref_squeeze %dma_start3A_87 : memref<1x256x128xf32, #tpu.memory_space<vmem>> -> memref<256x128xf32, #tpu.memory_space<vmem>>
      tpu.enqueue_dma source(%arg2 : memref<256x128xf32, #tpu.memory_space<hbm>>) target(%dma_start3A_88 : memref<256x128xf32, #tpu.memory_space<vmem>>) target_semaphore(%run_scoped3A_81 : memref<!tpu.dma_semaphore, #tpu.memory_space<semaphore_mem>>)
      %dma_wait3A_89 = arith.constant 0 : i32
      %dma_wait3A_90 = arith.constant 0 : i32
      %dma_wait3A_91 = tpu.memref_slice %arg6[%run_scoped3A, %dma_wait3A_89, %dma_wait3A_90] : memref<2x256x128xf32, #tpu.memory_space<vmem>> -> memref<1x256x128xf32, #tpu.memory_space<vmem>>
      %dma_wait3A_92 = tpu.memref_squeeze %dma_wait3A_91 : memref<1x256x128xf32, #tpu.memory_space<vmem>> -> memref<256x128xf32, #tpu.memory_space<vmem>>
      %dma_wait3A_93 = arith.constant 0 : i32
      %dma_wait3A_94 = arith.constant 0 : i32
      %dma_wait3A_95 = tpu.memref_slice %arg6[%run_scoped3A, %dma_wait3A_93, %dma_wait3A_94] : memref<2x256x128xf32, #tpu.memory_space<vmem>> -> memref<1x256x128xf32, #tpu.memory_space<vmem>>
      %dma_wait3A_96 = tpu.memref_squeeze %dma_wait3A_95 : memref<1x256x128xf32, #tpu.memory_space<vmem>> -> memref<256x128xf32, #tpu.memory_space<vmem>>
      tpu.wait_dma2 semaphore(%run_scoped3A_81 : memref<!tpu.dma_semaphore, #tpu.memory_space<semaphore_mem>>) src(%arg2 : memref<256x128xf32, #tpu.memory_space<hbm>>) dst(%dma_wait3A_96 : memref<256x128xf32, #tpu.memory_space<vmem>>)
      tpu.yield
    }) : () -> ()
    %run_scoped3A_35 = arith.constant 1 : i32
    "tpu.region"() ({
      %run_scoped3A_81 = tpu.sem_alloc : memref<!tpu.dma_semaphore, #tpu.memory_space<semaphore_mem>>
      %dma_start3A = arith.constant 0 : i32
      %dma_start3A_82 = arith.constant 0 : i32
      %dma_start3A_83 = tpu.memref_slice %arg6[%run_scoped3A_35, %dma_start3A, %dma_start3A_82] : memref<2x256x128xf32, #tpu.memory_space<vmem>> -> memref<1x256x128xf32, #tpu.memory_space<vmem>>
      %dma_start3A_84 = tpu.memref_squeeze %dma_start3A_83 : memref<1x256x128xf32, #tpu.memory_space<vmem>> -> memref<256x128xf32, #tpu.memory_space<vmem>>
      %dma_start3A_85 = arith.constant 0 : i32
      %dma_start3A_86 = arith.constant 0 : i32
      %dma_start3A_87 = tpu.memref_slice %arg6[%run_scoped3A_35, %dma_start3A_85, %dma_start3A_86] : memref<2x256x128xf32, #tpu.memory_space<vmem>> -> memref<1x256x128xf32, #tpu.memory_space<vmem>>
      %dma_start3A_88 = tpu.memref_squeeze %dma_start3A_87 : memref<1x256x128xf32, #tpu.memory_space<vmem>> -> memref<256x128xf32, #tpu.memory_space<vmem>>
      tpu.enqueue_dma source(%arg2 : memref<256x128xf32, #tpu.memory_space<hbm>>) target(%dma_start3A_88 : memref<256x128xf32, #tpu.memory_space<vmem>>) target_semaphore(%run_scoped3A_81 : memref<!tpu.dma_semaphore, #tpu.memory_space<semaphore_mem>>)
      %dma_wait3A_89 = arith.constant 0 : i32
      %dma_wait3A_90 = arith.constant 0 : i32
      %dma_wait3A_91 = tpu.memref_slice %arg6[%run_scoped3A_35, %dma_wait3A_89, %dma_wait3A_90] : memref<2x256x128xf32, #tpu.memory_space<vmem>> -> memref<1x256x128xf32, #tpu.memory_space<vmem>>
      %dma_wait3A_92 = tpu.memref_squeeze %dma_wait3A_91 : memref<1x256x128xf32, #tpu.memory_space<vmem>> -> memref<256x128xf32, #tpu.memory_space<vmem>>
      %dma_wait3A_93 = arith.constant 0 : i32
      %dma_wait3A_94 = arith.constant 0 : i32
      %dma_wait3A_95 = tpu.memref_slice %arg6[%run_scoped3A_35, %dma_wait3A_93, %dma_wait3A_94] : memref<2x256x128xf32, #tpu.memory_space<vmem>> -> memref<1x256x128xf32, #tpu.memory_space<vmem>>
      %dma_wait3A_96 = tpu.memref_squeeze %dma_wait3A_95 : memref<1x256x128xf32, #tpu.memory_space<vmem>> -> memref<256x128xf32, #tpu.memory_space<vmem>>
      tpu.wait_dma2 semaphore(%run_scoped3A_81 : memref<!tpu.dma_semaphore, #tpu.memory_space<semaphore_mem>>) src(%arg2 : memref<256x128xf32, #tpu.memory_space<hbm>>) dst(%dma_wait3A_96 : memref<256x128xf32, #tpu.memory_space<vmem>>)
      tpu.yield
    }) : () -> ()
    %iota3A = tpu.iota {dimensions = array<i32: 0>} : vector<16xi32>
    %broadcast_in_dim3A = arith.constant 0.000000e+00 : f32
    %broadcast_in_dim3A_36 = vector.broadcast %broadcast_in_dim3A : f32 to vector<16xf32>
    %scan3A = arith.constant 0 : i32
    %scan3A_37 = arith.constant 0 : i32
    %scan3A_38 = arith.constant 64 : i32
    %scan3A_39 = arith.addi %scan3A_37, %scan3A_38 : i32
    %scan3A_40 = arith.constant 1 : i32
    scf.for %scan3A_81 = %scan3A_37 to %scan3A_39 step %scan3A_40  : i32 {
      %jit3A_82 = arith.constant 2 : i32
      %eq3A_83 = arith.constant 0 : i32
      %eq3A_84 = arith.cmpi eq, %jit3A_82, %eq3A_83 : i32
      %jit3A_85 = arith.constant 1 : i32
      %select_n3A_86 = arith.select %eq3A_84, %jit3A_85, %jit3A_82 : i32
      %rem3A_87 = arith.remsi %scan3A_81, %select_n3A_86 : i32
      %ne3A_88 = arith.constant 0 : i32
      %ne3A_89 = arith.cmpi ne, %rem3A_87, %ne3A_88 : i32
      %lt3A_90 = arith.constant 0 : i32
      %lt3A_91 = arith.cmpi slt, %rem3A_87, %lt3A_90 : i32
      %lt3A_92 = arith.constant 0 : i32
      %lt3A_93 = arith.cmpi slt, %select_n3A_86, %lt3A_92 : i32
      %ne3A_94 = arith.xori %lt3A_91, %lt3A_93 : i1
      %and3A_95 = arith.andi %ne3A_94, %ne3A_89 : i1
      %add3A_96 = arith.addi %rem3A_87, %select_n3A_86 : i32
      %select_n3A_97 = arith.select %and3A_95, %add3A_96, %rem3A_87 : i32
      %ge3A = arith.constant 2 : i32
      %ge3A_98 = arith.cmpi sge, %scan3A_81, %ge3A : i32
      %convert_element_type3A = arith.extui %ge3A_98 : i1 to i32
      %cond3A = arith.constant 0 : i32
      %cond3A_99 = arith.cmpi ne, %convert_element_type3A, %cond3A : i32
      scf.if %cond3A_99 {
        %add3A_1195 = arith.addi %mul3A_18, %scan3A_81 : i32
        %sub3A_1196 = arith.constant 2 : i32
        %sub3A_1197 = arith.subi %add3A_1195, %sub3A_1196 : i32
        %dma_wait3A_1198 = arith.constant 0 : i32
        %dma_wait3A_1199 = arith.constant 0 : i32
        %dma_wait3A_1200 = tpu.memref_slice %arg6[%select_n3A_97, %dma_wait3A_1198, %dma_wait3A_1199] : memref<2x256x128xf32, #tpu.memory_space<vmem>> -> memref<1x256x128xf32, #tpu.memory_space<vmem>>
        %dma_wait3A_1201 = tpu.memref_squeeze %dma_wait3A_1200 : memref<1x256x128xf32, #tpu.memory_space<vmem>> -> memref<256x128xf32, #tpu.memory_space<vmem>>
        %dma_wait3A_1202 = arith.constant 0 : i32
        %dma_wait3A_1203 = tpu.memref_slice %arg4[%sub3A_1197, %mul3A_34, %dma_wait3A_1202] : memref<1024x512x128xf32, #tpu.memory_space<hbm>> -> memref<1x256x128xf32, #tpu.memory_space<hbm>>
        %dma_wait3A_1204 = tpu.memref_squeeze %dma_wait3A_1203 : memref<1x256x128xf32, #tpu.memory_space<hbm>> -> memref<256x128xf32, #tpu.memory_space<hbm>>
        %dma_wait3A_1205 = tpu.memref_slice %arg8[%select_n3A_97] : memref<2x!tpu.dma_semaphore, #tpu.memory_space<semaphore_mem>> -> memref<1x!tpu.dma_semaphore, #tpu.memory_space<semaphore_mem>>
        %dma_wait3A_1206 = tpu.memref_squeeze %dma_wait3A_1205 : memref<1x!tpu.dma_semaphore, #tpu.memory_space<semaphore_mem>> -> memref<!tpu.dma_semaphore, #tpu.memory_space<semaphore_mem>>
        %dma_wait3A_1207 = arith.constant 0 : i32
        %dma_wait3A_1208 = tpu.memref_slice %arg4[%sub3A_1197, %mul3A_34, %dma_wait3A_1207] : memref<1024x512x128xf32, #tpu.memory_space<hbm>> -> memref<1x256x128xf32, #tpu.memory_space<hbm>>
        %dma_wait3A_1209 = tpu.memref_squeeze %dma_wait3A_1208 : memref<1x256x128xf32, #tpu.memory_space<hbm>> -> memref<256x128xf32, #tpu.memory_space<hbm>>
        %dma_wait3A_1210 = arith.constant 0 : i32
        %dma_wait3A_1211 = arith.constant 0 : i32
        %dma_wait3A_1212 = tpu.memref_slice %arg6[%select_n3A_97, %dma_wait3A_1210, %dma_wait3A_1211] : memref<2x256x128xf32, #tpu.memory_space<vmem>> -> memref<1x256x128xf32, #tpu.memory_space<vmem>>
        %dma_wait3A_1213 = tpu.memref_squeeze %dma_wait3A_1212 : memref<1x256x128xf32, #tpu.memory_space<vmem>> -> memref<256x128xf32, #tpu.memory_space<vmem>>
        tpu.wait_dma2 semaphore(%dma_wait3A_1206 : memref<!tpu.dma_semaphore, #tpu.memory_space<semaphore_mem>>) src(%dma_wait3A_1213 : memref<256x128xf32, #tpu.memory_space<vmem>>) dst(%dma_wait3A_1209 : memref<256x128xf32, #tpu.memory_space<hbm>>)
        %get3A_1214 = arith.index_cast %select_n3A_97 : i32 to index
        %get3A_1215 = arith.constant 0 : index
        %get3A_1216 = tpu.vector_load %arg7[%get3A_1214, %get3A_1215] {strides = array<i32>} : memref<2x256xi32, #tpu.memory_space<vmem>>, vector<16xi32>,
        %add3A_1217 = arith.constant 0 : i32
        %add3A_1218 = vector.broadcast %add3A_1217 : i32 to vector<16xi32>
        %add3A_1219 = arith.addi %iota3A, %add3A_1218 : vector<16xi32>
        %scatter3A_1220 = arith.constant 0 : i32
        %scatter3A_1221 = arith.constant 0 : i32
        %scatter3A_1222 = tpu.memref_slice %arg6[%select_n3A_97, %scatter3A_1220, %scatter3A_1221] : memref<2x256x128xf32, #tpu.memory_space<vmem>> -> memref<1x256x128xf32, #tpu.memory_space<vmem>>
        %scatter3A_1223 = tpu.memref_squeeze %scatter3A_1222 : memref<1x256x128xf32, #tpu.memory_space<vmem>> -> memref<256x128xf32, #tpu.memory_space<vmem>>
        tpu.vector_store_idx %scatter3A_1223[%add3A_1219, %get3A_1216], %broadcast_in_dim3A_36 : memref<256x128xf32, #tpu.memory_space<vmem>>[vector<16xi32>, vector<16xi32>], vector<16xf32>,
        %get3A_1224 = arith.index_cast %select_n3A_97 : i32 to index
        %get3A_1225 = arith.constant 16 : index
        %get3A_1226 = tpu.vector_load %arg7[%get3A_1224, %get3A_1225] {strides = array<i32>} : memref<2x256xi32, #tpu.memory_space<vmem>>, vector<16xi32>,
        %add3A_1227 = arith.constant 16 : i32
        %add3A_1228 = vector.broadcast %add3A_1227 : i32 to vector<16xi32>
        %add3A_1229 = arith.addi %iota3A, %add3A_1228 : vector<16xi32>
        %scatter3A_1230 = arith.constant 0 : i32
        %scatter3A_1231 = arith.constant 0 : i32
        %scatter3A_1232 = tpu.memref_slice %arg6[%select_n3A_97, %scatter3A_1230, %scatter3A_1231] : memref<2x256x128xf32, #tpu.memory_space<vmem>> -> memref<1x256x128xf32, #tpu.memory_space<vmem>>
        %scatter3A_1233 = tpu.memref_squeeze %scatter3A_1232 : memref<1x256x128xf32, #tpu.memory_space<vmem>> -> memref<256x128xf32, #tpu.memory_space<vmem>>
        tpu.vector_store_idx %scatter3A_1233[%add3A_1229, %get3A_1226], %broadcast_in_dim3A_36 : memref<256x128xf32, #tpu.memory_space<vmem>>[vector<16xi32>, vector<16xi32>], vector<16xf32>,
        %get3A_1234 = arith.index_cast %select_n3A_97 : i32 to index
        %get3A_1235 = arith.constant 32 : index
        %get3A_1236 = tpu.vector_load %arg7[%get3A_1234, %get3A_1235] {strides = array<i32>} : memref<2x256xi32, #tpu.memory_space<vmem>>, vector<16xi32>,
        %add3A_1237 = arith.constant 32 : i32
        %add3A_1238 = vector.broadcast %add3A_1237 : i32 to vector<16xi32>
        %add3A_1239 = arith.addi %iota3A, %add3A_1238 : vector<16xi32>
        %scatter3A_1240 = arith.constant 0 : i32
        %scatter3A_1241 = arith.constant 0 : i32
        %scatter3A_1242 = tpu.memref_slice %arg6[%select_n3A_97, %scatter3A_1240, %scatter3A_1241] : memref<2x256x128xf32, #tpu.memory_space<vmem>> -> memref<1x256x128xf32, #tpu.memory_space<vmem>>
        %scatter3A_1243 = tpu.memref_squeeze %scatter3A_1242 : memref<1x256x128xf32, #tpu.memory_space<vmem>> -> memref<256x128xf32, #tpu.memory_space<vmem>>
        tpu.vector_store_idx %scatter3A_1243[%add3A_1239, %get3A_1236], %broadcast_in_dim3A_36 : memref<256x128xf32, #tpu.memory_space<vmem>>[vector<16xi32>, vector<16xi32>], vector<16xf32>,
        %get3A_1244 = arith.index_cast %select_n3A_97 : i32 to index
        %get3A_1245 = arith.constant 48 : index
        %get3A_1246 = tpu.vector_load %arg7[%get3A_1244, %get3A_1245] {strides = array<i32>} : memref<2x256xi32, #tpu.memory_space<vmem>>, vector<16xi32>,
        %add3A_1247 = arith.constant 48 : i32
        %add3A_1248 = vector.broadcast %add3A_1247 : i32 to vector<16xi32>
        %add3A_1249 = arith.addi %iota3A, %add3A_1248 : vector<16xi32>
        %scatter3A_1250 = arith.constant 0 : i32
        %scatter3A_1251 = arith.constant 0 : i32
        %scatter3A_1252 = tpu.memref_slice %arg6[%select_n3A_97, %scatter3A_1250, %scatter3A_1251] : memref<2x256x128xf32, #tpu.memory_space<vmem>> -> memref<1x256x128xf32, #tpu.memory_space<vmem>>
        %scatter3A_1253 = tpu.memref_squeeze %scatter3A_1252 : memref<1x256x128xf32, #tpu.memory_space<vmem>> -> memref<256x128xf32, #tpu.memory_space<vmem>>
        tpu.vector_store_idx %scatter3A_1253[%add3A_1249, %get3A_1246], %broadcast_in_dim3A_36 : memref<256x128xf32, #tpu.memory_space<vmem>>[vector<16xi32>, vector<16xi32>], vector<16xf32>,
        %get3A_1254 = arith.index_cast %select_n3A_97 : i32 to index
        %get3A_1255 = arith.constant 64 : index
        %get3A_1256 = tpu.vector_load %arg7[%get3A_1254, %get3A_1255] {strides = array<i32>} : memref<2x256xi32, #tpu.memory_space<vmem>>, vector<16xi32>,
        %add3A_1257 = arith.constant 64 : i32
        %add3A_1258 = vector.broadcast %add3A_1257 : i32 to vector<16xi32>
        %add3A_1259 = arith.addi %iota3A, %add3A_1258 : vector<16xi32>
        %scatter3A_1260 = arith.constant 0 : i32
        %scatter3A_1261 = arith.constant 0 : i32
        %scatter3A_1262 = tpu.memref_slice %arg6[%select_n3A_97, %scatter3A_1260, %scatter3A_1261] : memref<2x256x128xf32, #tpu.memory_space<vmem>> -> memref<1x256x128xf32, #tpu.memory_space<vmem>>
        %scatter3A_1263 = tpu.memref_squeeze %scatter3A_1262 : memref<1x256x128xf32, #tpu.memory_space<vmem>> -> memref<256x128xf32, #tpu.memory_space<vmem>>
        tpu.vector_store_idx %scatter3A_1263[%add3A_1259, %get3A_1256], %broadcast_in_dim3A_36 : memref<256x128xf32, #tpu.memory_space<vmem>>[vector<16xi32>, vector<16xi32>], vector<16xf32>,
        %get3A_1264 = arith.index_cast %select_n3A_97 : i32 to index
        %get3A_1265 = arith.constant 80 : index
        %get3A_1266 = tpu.vector_load %arg7[%get3A_1264, %get3A_1265] {strides = array<i32>} : memref<2x256xi32, #tpu.memory_space<vmem>>, vector<16xi32>,
        %add3A_1267 = arith.constant 80 : i32
        %add3A_1268 = vector.broadcast %add3A_1267 : i32 to vector<16xi32>
        %add3A_1269 = arith.addi %iota3A, %add3A_1268 : vector<16xi32>
        %scatter3A_1270 = arith.constant 0 : i32
        %scatter3A_1271 = arith.constant 0 : i32
        %scatter3A_1272 = tpu.memref_slice %arg6[%select_n3A_97, %scatter3A_1270, %scatter3A_1271] : memref<2x256x128xf32, #tpu.memory_space<vmem>> -> memref<1x256x128xf32, #tpu.memory_space<vmem>>
        %scatter3A_1273 = tpu.memref_squeeze %scatter3A_1272 : memref<1x256x128xf32, #tpu.memory_space<vmem>> -> memref<256x128xf32, #tpu.memory_space<vmem>>
        tpu.vector_store_idx %scatter3A_1273[%add3A_1269, %get3A_1266], %broadcast_in_dim3A_36 : memref<256x128xf32, #tpu.memory_space<vmem>>[vector<16xi32>, vector<16xi32>], vector<16xf32>,
        %get3A_1274 = arith.index_cast %select_n3A_97 : i32 to index
        %get3A_1275 = arith.constant 96 : index
        %get3A_1276 = tpu.vector_load %arg7[%get3A_1274, %get3A_1275] {strides = array<i32>} : memref<2x256xi32, #tpu.memory_space<vmem>>, vector<16xi32>,
        %add3A_1277 = arith.constant 96 : i32
        %add3A_1278 = vector.broadcast %add3A_1277 : i32 to vector<16xi32>
        %add3A_1279 = arith.addi %iota3A, %add3A_1278 : vector<16xi32>
        %scatter3A_1280 = arith.constant 0 : i32
        %scatter3A_1281 = arith.constant 0 : i32
        %scatter3A_1282 = tpu.memref_slice %arg6[%select_n3A_97, %scatter3A_1280, %scatter3A_1281] : memref<2x256x128xf32, #tpu.memory_space<vmem>> -> memref<1x256x128xf32, #tpu.memory_space<vmem>>
        %scatter3A_1283 = tpu.memref_squeeze %scatter3A_1282 : memref<1x256x128xf32, #tpu.memory_space<vmem>> -> memref<256x128xf32, #tpu.memory_space<vmem>>
        tpu.vector_store_idx %scatter3A_1283[%add3A_1279, %get3A_1276], %broadcast_in_dim3A_36 : memref<256x128xf32, #tpu.memory_space<vmem>>[vector<16xi32>, vector<16xi32>], vector<16xf32>,
        %get3A_1284 = arith.index_cast %select_n3A_97 : i32 to index
        %get3A_1285 = arith.constant 112 : index
        %get3A_1286 = tpu.vector_load %arg7[%get3A_1284, %get3A_1285] {strides = array<i32>} : memref<2x256xi32, #tpu.memory_space<vmem>>, vector<16xi32>,
        %add3A_1287 = arith.constant 112 : i32
        %add3A_1288 = vector.broadcast %add3A_1287 : i32 to vector<16xi32>
        %add3A_1289 = arith.addi %iota3A, %add3A_1288 : vector<16xi32>
        %scatter3A_1290 = arith.constant 0 : i32
        %scatter3A_1291 = arith.constant 0 : i32
        %scatter3A_1292 = tpu.memref_slice %arg6[%select_n3A_97, %scatter3A_1290, %scatter3A_1291] : memref<2x256x128xf32, #tpu.memory_space<vmem>> -> memref<1x256x128xf32, #tpu.memory_space<vmem>>
        %scatter3A_1293 = tpu.memref_squeeze %scatter3A_1292 : memref<1x256x128xf32, #tpu.memory_space<vmem>> -> memref<256x128xf32, #tpu.memory_space<vmem>>
        tpu.vector_store_idx %scatter3A_1293[%add3A_1289, %get3A_1286], %broadcast_in_dim3A_36 : memref<256x128xf32, #tpu.memory_space<vmem>>[vector<16xi32>, vector<16xi32>], vector<16xf32>,
        %get3A_1294 = arith.index_cast %select_n3A_97 : i32 to index
        %get3A_1295 = arith.constant 128 : index
        %get3A_1296 = tpu.vector_load %arg7[%get3A_1294, %get3A_1295] {strides = array<i32>} : memref<2x256xi32, #tpu.memory_space<vmem>>, vector<16xi32>,
        %add3A_1297 = arith.constant 128 : i32
        %add3A_1298 = vector.broadcast %add3A_1297 : i32 to vector<16xi32>
        %add3A_1299 = arith.addi %iota3A, %add3A_1298 : vector<16xi32>
        %scatter3A_1300 = arith.constant 0 : i32
        %scatter3A_1301 = arith.constant 0 : i32
        %scatter3A_1302 = tpu.memref_slice %arg6[%select_n3A_97, %scatter3A_1300, %scatter3A_1301] : memref<2x256x128xf32, #tpu.memory_space<vmem>> -> memref<1x256x128xf32, #tpu.memory_space<vmem>>
        %scatter3A_1303 = tpu.memref_squeeze %scatter3A_1302 : memref<1x256x128xf32, #tpu.memory_space<vmem>> -> memref<256x128xf32, #tpu.memory_space<vmem>>
        tpu.vector_store_idx %scatter3A_1303[%add3A_1299, %get3A_1296], %broadcast_in_dim3A_36 : memref<256x128xf32, #tpu.memory_space<vmem>>[vector<16xi32>, vector<16xi32>], vector<16xf32>,
        %get3A_1304 = arith.index_cast %select_n3A_97 : i32 to index
        %get3A_1305 = arith.constant 144 : index
        %get3A_1306 = tpu.vector_load %arg7[%get3A_1304, %get3A_1305] {strides = array<i32>} : memref<2x256xi32, #tpu.memory_space<vmem>>, vector<16xi32>,
        %add3A_1307 = arith.constant 144 : i32
        %add3A_1308 = vector.broadcast %add3A_1307 : i32 to vector<16xi32>
        %add3A_1309 = arith.addi %iota3A, %add3A_1308 : vector<16xi32>
        %scatter3A_1310 = arith.constant 0 : i32
        %scatter3A_1311 = arith.constant 0 : i32
        %scatter3A_1312 = tpu.memref_slice %arg6[%select_n3A_97, %scatter3A_1310, %scatter3A_1311] : memref<2x256x128xf32, #tpu.memory_space<vmem>> -> memref<1x256x128xf32, #tpu.memory_space<vmem>>
        %scatter3A_1313 = tpu.memref_squeeze %scatter3A_1312 : memref<1x256x128xf32, #tpu.memory_space<vmem>> -> memref<256x128xf32, #tpu.memory_space<vmem>>
        tpu.vector_store_idx %scatter3A_1313[%add3A_1309, %get3A_1306], %broadcast_in_dim3A_36 : memref<256x128xf32, #tpu.memory_space<vmem>>[vector<16xi32>, vector<16xi32>], vector<16xf32>,
        %get3A_1314 = arith.index_cast %select_n3A_97 : i32 to index
        %get3A_1315 = arith.constant 160 : index
        %get3A_1316 = tpu.vector_load %arg7[%get3A_1314, %get3A_1315] {strides = array<i32>} : memref<2x256xi32, #tpu.memory_space<vmem>>, vector<16xi32>,
        %add3A_1317 = arith.constant 160 : i32
        %add3A_1318 = vector.broadcast %add3A_1317 : i32 to vector<16xi32>
        %add3A_1319 = arith.addi %iota3A, %add3A_1318 : vector<16xi32>
        %scatter3A_1320 = arith.constant 0 : i32
        %scatter3A_1321 = arith.constant 0 : i32
        %scatter3A_1322 = tpu.memref_slice %arg6[%select_n3A_97, %scatter3A_1320, %scatter3A_1321] : memref<2x256x128xf32, #tpu.memory_space<vmem>> -> memref<1x256x128xf32, #tpu.memory_space<vmem>>
        %scatter3A_1323 = tpu.memref_squeeze %scatter3A_1322 : memref<1x256x128xf32, #tpu.memory_space<vmem>> -> memref<256x128xf32, #tpu.memory_space<vmem>>
        tpu.vector_store_idx %scatter3A_1323[%add3A_1319, %get3A_1316], %broadcast_in_dim3A_36 : memref<256x128xf32, #tpu.memory_space<vmem>>[vector<16xi32>, vector<16xi32>], vector<16xf32>,
        %get3A_1324 = arith.index_cast %select_n3A_97 : i32 to index
        %get3A_1325 = arith.constant 176 : index
        %get3A_1326 = tpu.vector_load %arg7[%get3A_1324, %get3A_1325] {strides = array<i32>} : memref<2x256xi32, #tpu.memory_space<vmem>>, vector<16xi32>,
        %add3A_1327 = arith.constant 176 : i32
        %add3A_1328 = vector.broadcast %add3A_1327 : i32 to vector<16xi32>
        %add3A_1329 = arith.addi %iota3A, %add3A_1328 : vector<16xi32>
        %scatter3A_1330 = arith.constant 0 : i32
        %scatter3A_1331 = arith.constant 0 : i32
        %scatter3A_1332 = tpu.memref_slice %arg6[%select_n3A_97, %scatter3A_1330, %scatter3A_1331] : memref<2x256x128xf32, #tpu.memory_space<vmem>> -> memref<1x256x128xf32, #tpu.memory_space<vmem>>
        %scatter3A_1333 = tpu.memref_squeeze %scatter3A_1332 : memref<1x256x128xf32, #tpu.memory_space<vmem>> -> memref<256x128xf32, #tpu.memory_space<vmem>>
        tpu.vector_store_idx %scatter3A_1333[%add3A_1329, %get3A_1326], %broadcast_in_dim3A_36 : memref<256x128xf32, #tpu.memory_space<vmem>>[vector<16xi32>, vector<16xi32>], vector<16xf32>,
        %get3A_1334 = arith.index_cast %select_n3A_97 : i32 to index
        %get3A_1335 = arith.constant 192 : index
        %get3A_1336 = tpu.vector_load %arg7[%get3A_1334, %get3A_1335] {strides = array<i32>} : memref<2x256xi32, #tpu.memory_space<vmem>>, vector<16xi32>,
        %add3A_1337 = arith.constant 192 : i32
        %add3A_1338 = vector.broadcast %add3A_1337 : i32 to vector<16xi32>
        %add3A_1339 = arith.addi %iota3A, %add3A_1338 : vector<16xi32>
        %scatter3A_1340 = arith.constant 0 : i32
        %scatter3A_1341 = arith.constant 0 : i32
        %scatter3A_1342 = tpu.memref_slice %arg6[%select_n3A_97, %scatter3A_1340, %scatter3A_1341] : memref<2x256x128xf32, #tpu.memory_space<vmem>> -> memref<1x256x128xf32, #tpu.memory_space<vmem>>
        %scatter3A_1343 = tpu.memref_squeeze %scatter3A_1342 : memref<1x256x128xf32, #tpu.memory_space<vmem>> -> memref<256x128xf32, #tpu.memory_space<vmem>>
        tpu.vector_store_idx %scatter3A_1343[%add3A_1339, %get3A_1336], %broadcast_in_dim3A_36 : memref<256x128xf32, #tpu.memory_space<vmem>>[vector<16xi32>, vector<16xi32>], vector<16xf32>,
        %get3A_1344 = arith.index_cast %select_n3A_97 : i32 to index
        %get3A_1345 = arith.constant 208 : index
        %get3A_1346 = tpu.vector_load %arg7[%get3A_1344, %get3A_1345] {strides = array<i32>} : memref<2x256xi32, #tpu.memory_space<vmem>>, vector<16xi32>,
        %add3A_1347 = arith.constant 208 : i32
        %add3A_1348 = vector.broadcast %add3A_1347 : i32 to vector<16xi32>
        %add3A_1349 = arith.addi %iota3A, %add3A_1348 : vector<16xi32>
        %scatter3A_1350 = arith.constant 0 : i32
        %scatter3A_1351 = arith.constant 0 : i32
        %scatter3A_1352 = tpu.memref_slice %arg6[%select_n3A_97, %scatter3A_1350, %scatter3A_1351] : memref<2x256x128xf32, #tpu.memory_space<vmem>> -> memref<1x256x128xf32, #tpu.memory_space<vmem>>
        %scatter3A_1353 = tpu.memref_squeeze %scatter3A_1352 : memref<1x256x128xf32, #tpu.memory_space<vmem>> -> memref<256x128xf32, #tpu.memory_space<vmem>>
        tpu.vector_store_idx %scatter3A_1353[%add3A_1349, %get3A_1346], %broadcast_in_dim3A_36 : memref<256x128xf32, #tpu.memory_space<vmem>>[vector<16xi32>, vector<16xi32>], vector<16xf32>,
        %get3A_1354 = arith.index_cast %select_n3A_97 : i32 to index
        %get3A_1355 = arith.constant 224 : index
        %get3A_1356 = tpu.vector_load %arg7[%get3A_1354, %get3A_1355] {strides = array<i32>} : memref<2x256xi32, #tpu.memory_space<vmem>>, vector<16xi32>,
        %add3A_1357 = arith.constant 224 : i32
        %add3A_1358 = vector.broadcast %add3A_1357 : i32 to vector<16xi32>
        %add3A_1359 = arith.addi %iota3A, %add3A_1358 : vector<16xi32>
        %scatter3A_1360 = arith.constant 0 : i32
        %scatter3A_1361 = arith.constant 0 : i32
        %scatter3A_1362 = tpu.memref_slice %arg6[%select_n3A_97, %scatter3A_1360, %scatter3A_1361] : memref<2x256x128xf32, #tpu.memory_space<vmem>> -> memref<1x256x128xf32, #tpu.memory_space<vmem>>
        %scatter3A_1363 = tpu.memref_squeeze %scatter3A_1362 : memref<1x256x128xf32, #tpu.memory_space<vmem>> -> memref<256x128xf32, #tpu.memory_space<vmem>>
        tpu.vector_store_idx %scatter3A_1363[%add3A_1359, %get3A_1356], %broadcast_in_dim3A_36 : memref<256x128xf32, #tpu.memory_space<vmem>>[vector<16xi32>, vector<16xi32>], vector<16xf32>,
        %get3A_1364 = arith.index_cast %select_n3A_97 : i32 to index
        %get3A_1365 = arith.constant 240 : index
        %get3A_1366 = tpu.vector_load %arg7[%get3A_1364, %get3A_1365] {strides = array<i32>} : memref<2x256xi32, #tpu.memory_space<vmem>>, vector<16xi32>,
        %add3A_1367 = arith.constant 240 : i32
        %add3A_1368 = vector.broadcast %add3A_1367 : i32 to vector<16xi32>
        %add3A_1369 = arith.addi %iota3A, %add3A_1368 : vector<16xi32>
        %scatter3A_1370 = arith.constant 0 : i32
        %scatter3A_1371 = arith.constant 0 : i32
        %scatter3A_1372 = tpu.memref_slice %arg6[%select_n3A_97, %scatter3A_1370, %scatter3A_1371] : memref<2x256x128xf32, #tpu.memory_space<vmem>> -> memref<1x256x128xf32, #tpu.memory_space<vmem>>
        %scatter3A_1373 = tpu.memref_squeeze %scatter3A_1372 : memref<1x256x128xf32, #tpu.memory_space<vmem>> -> memref<256x128xf32, #tpu.memory_space<vmem>>
        tpu.vector_store_idx %scatter3A_1373[%add3A_1369, %get3A_1366], %broadcast_in_dim3A_36 : memref<256x128xf32, #tpu.memory_space<vmem>>[vector<16xi32>, vector<16xi32>], vector<16xf32>,
      } else {
      }
      %get3A = arith.index_cast %scan3A_81 : i32 to index
      %get3A_100 = arith.constant 0 : index
      %get3A_101 = tpu.vector_load %arg5[%get3A, %get3A_100] {strides = array<i32>} : memref<64x256xf32, #tpu.memory_space<vmem>>, vector<16xf32>,
      %neg3A = arith.constant 0.000000e+00 : f32
      %neg3A_102 = vector.broadcast %neg3A : f32 to vector<16xf32>
      %neg3A_103 = arith.subf %neg3A_102, %get3A_101 : vector<16xf32>
      %exp3A = math.exp %neg3A_103 : vector<16xf32>
      %add3A_104 = arith.constant 1.000000e+00 : f32
      %add3A_105 = vector.broadcast %add3A_104 : f32 to vector<16xf32>
      %add3A_106 = arith.addf %add3A_105, %exp3A : vector<16xf32>
      %div3A_107 = arith.constant 1.000000e+00 : f32
      %div3A_108 = vector.broadcast %div3A_107 : f32 to vector<16xf32>
      %div3A_109 = arith.divf %div3A_108, %add3A_106 : vector<16xf32>
      %sub3A_110 = arith.constant 1.000000e+00 : f32
      %sub3A_111 = vector.broadcast %sub3A_110 : f32 to vector<16xf32>
      %sub3A_112 = arith.subf %sub3A_111, %div3A_109 : vector<16xf32>
      %mul3A_113 = arith.constant 9.900000e+01 : f32
      %mul3A_114 = vector.broadcast %mul3A_113 : f32 to vector<16xf32>
      %mul3A_115 = arith.mulf %sub3A_112, %mul3A_114 : vector<16xf32>
      %convert_element_type3A_116 = arith.fptosi %mul3A_115 : vector<16xf32> to vector<16xi32>
      %convert_element_type3A_117 = arith.sitofp %convert_element_type3A_116 : vector<16xi32> to vector<16xf32>
      %sub3A_118 = arith.subf %mul3A_115, %convert_element_type3A_117 : vector<16xf32>
      %gt3A = arith.constant 5.000000e-01 : f32
      %gt3A_119 = vector.broadcast %gt3A : f32 to vector<16xf32>
      %gt3A_120 = arith.cmpf ogt, %sub3A_118, %gt3A_119 : vector<16xf32>
      %jit3A_121 = arith.constant 1 : i32
      %jit3A_122 = arith.constant 0 : i32
      %broadcast_in_dim3A_123 = vector.broadcast %jit3A_121 : i32 to vector<16xi32>
      %broadcast_in_dim3A_124 = vector.broadcast %jit3A_122 : i32 to vector<16xi32>
      %select_n3A_125 = arith.select %gt3A_120, %broadcast_in_dim3A_123, %broadcast_in_dim3A_124 : vector<16xi1>, vector<16xi32>
      %eq3A_126 = arith.constant 5.000000e-01 : f32
      %eq3A_127 = vector.broadcast %eq3A_126 : f32 to vector<16xf32>
      %eq3A_128 = arith.cmpf oeq, %sub3A_118, %eq3A_127 : vector<16xf32>
      %jit3A_129 = arith.constant 1 : i32
      %jit3A_130 = arith.constant 0 : i32
      %broadcast_in_dim3A_131 = vector.broadcast %jit3A_129 : i32 to vector<16xi32>
      %broadcast_in_dim3A_132 = vector.broadcast %jit3A_130 : i32 to vector<16xi32>
      %select_n3A_133 = arith.select %eq3A_128, %broadcast_in_dim3A_131, %broadcast_in_dim3A_132 : vector<16xi1>, vector<16xi32>
      %and3A_134 = arith.constant 1 : i32
      %and3A_135 = vector.broadcast %and3A_134 : i32 to vector<16xi32>
      %and3A_136 = arith.andi %convert_element_type3A_116, %and3A_135 : vector<16xi32>
      %and3A_137 = arith.andi %select_n3A_133, %and3A_136 : vector<16xi32>
      %or3A = arith.ori %select_n3A_125, %and3A_137 : vector<16xi32>
      %add3A_138 = arith.addi %convert_element_type3A_116, %or3A : vector<16xi32>
      %max3A = arith.constant 0 : i32
      %max3A_139 = vector.broadcast %max3A : i32 to vector<16xi32>
      %max3A_140 = arith.maxsi %add3A_138, %max3A_139 : vector<16xi32>
      %min3A = arith.constant 99 : i32
      %min3A_141 = vector.broadcast %min3A : i32 to vector<16xi32>
      %min3A_142 = arith.minsi %max3A_140, %min3A_141 : vector<16xi32>
      %gt3A_143 = arith.constant 5.000000e-01 : f32
      %gt3A_144 = vector.broadcast %gt3A_143 : f32 to vector<16xf32>
      %gt3A_145 = arith.cmpf ogt, %div3A_109, %gt3A_144 : vector<16xf32>
      %jit3A_146 = arith.constant 1.000000e+00 : f32
      %jit3A_147 = arith.constant 0.000000e+00 : f32
      %broadcast_in_dim3A_148 = vector.broadcast %jit3A_146 : f32 to vector<16xf32>
      %broadcast_in_dim3A_149 = vector.broadcast %jit3A_147 : f32 to vector<16xf32>
      %select_n3A_150 = arith.select %gt3A_145, %broadcast_in_dim3A_148, %broadcast_in_dim3A_149 : vector<16xi1>, vector<16xf32>
      %swap3A = arith.index_cast %select_n3A_97 : i32 to index
      %swap3A_151 = arith.constant 0 : index
      %swap3A_152 = tpu.vector_load %arg7[%swap3A, %swap3A_151] {strides = array<i32>} : memref<2x256xi32, #tpu.memory_space<vmem>>, vector<16xi32>,
      tpu.vector_store %arg7[%swap3A, %swap3A_151], %min3A_142 {strides = array<i32>} : memref<2x256xi32, #tpu.memory_space<vmem>>, vector<16xi32>,
      %add3A_153 = arith.constant 0 : i32
      %add3A_154 = vector.broadcast %add3A_153 : i32 to vector<16xi32>
      %add3A_155 = arith.addi %iota3A, %add3A_154 : vector<16xi32>
      %scatter3A = arith.constant 0 : i32
      %scatter3A_156 = arith.constant 0 : i32
      %scatter3A_157 = tpu.memref_slice %arg6[%select_n3A_97, %scatter3A, %scatter3A_156] : memref<2x256x128xf32, #tpu.memory_space<vmem>> -> memref<1x256x128xf32, #tpu.memory_space<vmem>>
      %scatter3A_158 = tpu.memref_squeeze %scatter3A_157 : memref<1x256x128xf32, #tpu.memory_space<vmem>> -> memref<256x128xf32, #tpu.memory_space<vmem>>
      tpu.vector_store_idx %scatter3A_158[%add3A_155, %min3A_142], %select_n3A_150 : memref<256x128xf32, #tpu.memory_space<vmem>>[vector<16xi32>, vector<16xi32>], vector<16xf32>,
      %get3A_159 = arith.index_cast %scan3A_81 : i32 to index
      %get3A_160 = arith.constant 16 : index
      %get3A_161 = tpu.vector_load %arg5[%get3A_159, %get3A_160] {strides = array<i32>} : memref<64x256xf32, #tpu.memory_space<vmem>>, vector<16xf32>,
      %neg3A_162 = arith.constant 0.000000e+00 : f32
      %neg3A_163 = vector.broadcast %neg3A_162 : f32 to vector<16xf32>
      %neg3A_164 = arith.subf %neg3A_163, %get3A_161 : vector<16xf32>
      %exp3A_165 = math.exp %neg3A_164 : vector<16xf32>
      %add3A_166 = arith.constant 1.000000e+00 : f32
      %add3A_167 = vector.broadcast %add3A_166 : f32 to vector<16xf32>
      %add3A_168 = arith.addf %add3A_167, %exp3A_165 : vector<16xf32>
      %div3A_169 = arith.constant 1.000000e+00 : f32
      %div3A_170 = vector.broadcast %div3A_169 : f32 to vector<16xf32>
      %div3A_171 = arith.divf %div3A_170, %add3A_168 : vector<16xf32>
      %sub3A_172 = arith.constant 1.000000e+00 : f32
      %sub3A_173 = vector.broadcast %sub3A_172 : f32 to vector<16xf32>
      %sub3A_174 = arith.subf %sub3A_173, %div3A_171 : vector<16xf32>
      %mul3A_175 = arith.constant 9.900000e+01 : f32
      %mul3A_176 = vector.broadcast %mul3A_175 : f32 to vector<16xf32>
      %mul3A_177 = arith.mulf %sub3A_174, %mul3A_176 : vector<16xf32>
      %convert_element_type3A_178 = arith.fptosi %mul3A_177 : vector<16xf32> to vector<16xi32>
      %convert_element_type3A_179 = arith.sitofp %convert_element_type3A_178 : vector<16xi32> to vector<16xf32>
      %sub3A_180 = arith.subf %mul3A_177, %convert_element_type3A_179 : vector<16xf32>
      %gt3A_181 = arith.constant 5.000000e-01 : f32
      %gt3A_182 = vector.broadcast %gt3A_181 : f32 to vector<16xf32>
      %gt3A_183 = arith.cmpf ogt, %sub3A_180, %gt3A_182 : vector<16xf32>
      %jit3A_184 = arith.constant 1 : i32
      %jit3A_185 = arith.constant 0 : i32
      %broadcast_in_dim3A_186 = vector.broadcast %jit3A_184 : i32 to vector<16xi32>
      %broadcast_in_dim3A_187 = vector.broadcast %jit3A_185 : i32 to vector<16xi32>
      %select_n3A_188 = arith.select %gt3A_183, %broadcast_in_dim3A_186, %broadcast_in_dim3A_187 : vector<16xi1>, vector<16xi32>
      %eq3A_189 = arith.constant 5.000000e-01 : f32
      %eq3A_190 = vector.broadcast %eq3A_189 : f32 to vector<16xf32>
      %eq3A_191 = arith.cmpf oeq, %sub3A_180, %eq3A_190 : vector<16xf32>
      %jit3A_192 = arith.constant 1 : i32
      %jit3A_193 = arith.constant 0 : i32
      %broadcast_in_dim3A_194 = vector.broadcast %jit3A_192 : i32 to vector<16xi32>
      %broadcast_in_dim3A_195 = vector.broadcast %jit3A_193 : i32 to vector<16xi32>
      %select_n3A_196 = arith.select %eq3A_191, %broadcast_in_dim3A_194, %broadcast_in_dim3A_195 : vector<16xi1>, vector<16xi32>
      %and3A_197 = arith.constant 1 : i32
      %and3A_198 = vector.broadcast %and3A_197 : i32 to vector<16xi32>
      %and3A_199 = arith.andi %convert_element_type3A_178, %and3A_198 : vector<16xi32>
      %and3A_200 = arith.andi %select_n3A_196, %and3A_199 : vector<16xi32>
      %or3A_201 = arith.ori %select_n3A_188, %and3A_200 : vector<16xi32>
      %add3A_202 = arith.addi %convert_element_type3A_178, %or3A_201 : vector<16xi32>
      %max3A_203 = arith.constant 0 : i32
      %max3A_204 = vector.broadcast %max3A_203 : i32 to vector<16xi32>
      %max3A_205 = arith.maxsi %add3A_202, %max3A_204 : vector<16xi32>
      %min3A_206 = arith.constant 99 : i32
      %min3A_207 = vector.broadcast %min3A_206 : i32 to vector<16xi32>
      %min3A_208 = arith.minsi %max3A_205, %min3A_207 : vector<16xi32>
      %gt3A_209 = arith.constant 5.000000e-01 : f32
      %gt3A_210 = vector.broadcast %gt3A_209 : f32 to vector<16xf32>
      %gt3A_211 = arith.cmpf ogt, %div3A_171, %gt3A_210 : vector<16xf32>
      %jit3A_212 = arith.constant 1.000000e+00 : f32
      %jit3A_213 = arith.constant 0.000000e+00 : f32
      %broadcast_in_dim3A_214 = vector.broadcast %jit3A_212 : f32 to vector<16xf32>
      %broadcast_in_dim3A_215 = vector.broadcast %jit3A_213 : f32 to vector<16xf32>
      %select_n3A_216 = arith.select %gt3A_211, %broadcast_in_dim3A_214, %broadcast_in_dim3A_215 : vector<16xi1>, vector<16xf32>
      %swap3A_217 = arith.index_cast %select_n3A_97 : i32 to index
      %swap3A_218 = arith.constant 16 : index
      %swap3A_219 = tpu.vector_load %arg7[%swap3A_217, %swap3A_218] {strides = array<i32>} : memref<2x256xi32, #tpu.memory_space<vmem>>, vector<16xi32>,
      tpu.vector_store %arg7[%swap3A_217, %swap3A_218], %min3A_208 {strides = array<i32>} : memref<2x256xi32, #tpu.memory_space<vmem>>, vector<16xi32>,
      %add3A_220 = arith.constant 16 : i32
      %add3A_221 = vector.broadcast %add3A_220 : i32 to vector<16xi32>
      %add3A_222 = arith.addi %iota3A, %add3A_221 : vector<16xi32>
      %scatter3A_223 = arith.constant 0 : i32
      %scatter3A_224 = arith.constant 0 : i32
      %scatter3A_225 = tpu.memref_slice %arg6[%select_n3A_97, %scatter3A_223, %scatter3A_224] : memref<2x256x128xf32, #tpu.memory_space<vmem>> -> memref<1x256x128xf32, #tpu.memory_space<vmem>>
      %scatter3A_226 = tpu.memref_squeeze %scatter3A_225 : memref<1x256x128xf32, #tpu.memory_space<vmem>> -> memref<256x128xf32, #tpu.memory_space<vmem>>
      tpu.vector_store_idx %scatter3A_226[%add3A_222, %min3A_208], %select_n3A_216 : memref<256x128xf32, #tpu.memory_space<vmem>>[vector<16xi32>, vector<16xi32>], vector<16xf32>,
      %get3A_227 = arith.index_cast %scan3A_81 : i32 to index
      %get3A_228 = arith.constant 32 : index
      %get3A_229 = tpu.vector_load %arg5[%get3A_227, %get3A_228] {strides = array<i32>} : memref<64x256xf32, #tpu.memory_space<vmem>>, vector<16xf32>,
      %neg3A_230 = arith.constant 0.000000e+00 : f32
      %neg3A_231 = vector.broadcast %neg3A_230 : f32 to vector<16xf32>
      %neg3A_232 = arith.subf %neg3A_231, %get3A_229 : vector<16xf32>
      %exp3A_233 = math.exp %neg3A_232 : vector<16xf32>
      %add3A_234 = arith.constant 1.000000e+00 : f32
      %add3A_235 = vector.broadcast %add3A_234 : f32 to vector<16xf32>
      %add3A_236 = arith.addf %add3A_235, %exp3A_233 : vector<16xf32>
      %div3A_237 = arith.constant 1.000000e+00 : f32
      %div3A_238 = vector.broadcast %div3A_237 : f32 to vector<16xf32>
      %div3A_239 = arith.divf %div3A_238, %add3A_236 : vector<16xf32>
      %sub3A_240 = arith.constant 1.000000e+00 : f32
      %sub3A_241 = vector.broadcast %sub3A_240 : f32 to vector<16xf32>
      %sub3A_242 = arith.subf %sub3A_241, %div3A_239 : vector<16xf32>
      %mul3A_243 = arith.constant 9.900000e+01 : f32
      %mul3A_244 = vector.broadcast %mul3A_243 : f32 to vector<16xf32>
      %mul3A_245 = arith.mulf %sub3A_242, %mul3A_244 : vector<16xf32>
      %convert_element_type3A_246 = arith.fptosi %mul3A_245 : vector<16xf32> to vector<16xi32>
      %convert_element_type3A_247 = arith.sitofp %convert_element_type3A_246 : vector<16xi32> to vector<16xf32>
      %sub3A_248 = arith.subf %mul3A_245, %convert_element_type3A_247 : vector<16xf32>
      %gt3A_249 = arith.constant 5.000000e-01 : f32
      %gt3A_250 = vector.broadcast %gt3A_249 : f32 to vector<16xf32>
      %gt3A_251 = arith.cmpf ogt, %sub3A_248, %gt3A_250 : vector<16xf32>
      %jit3A_252 = arith.constant 1 : i32
      %jit3A_253 = arith.constant 0 : i32
      %broadcast_in_dim3A_254 = vector.broadcast %jit3A_252 : i32 to vector<16xi32>
      %broadcast_in_dim3A_255 = vector.broadcast %jit3A_253 : i32 to vector<16xi32>
      %select_n3A_256 = arith.select %gt3A_251, %broadcast_in_dim3A_254, %broadcast_in_dim3A_255 : vector<16xi1>, vector<16xi32>
      %eq3A_257 = arith.constant 5.000000e-01 : f32
      %eq3A_258 = vector.broadcast %eq3A_257 : f32 to vector<16xf32>
      %eq3A_259 = arith.cmpf oeq, %sub3A_248, %eq3A_258 : vector<16xf32>
      %jit3A_260 = arith.constant 1 : i32
      %jit3A_261 = arith.constant 0 : i32
      %broadcast_in_dim3A_262 = vector.broadcast %jit3A_260 : i32 to vector<16xi32>
      %broadcast_in_dim3A_263 = vector.broadcast %jit3A_261 : i32 to vector<16xi32>
      %select_n3A_264 = arith.select %eq3A_259, %broadcast_in_dim3A_262, %broadcast_in_dim3A_263 : vector<16xi1>, vector<16xi32>
      %and3A_265 = arith.constant 1 : i32
      %and3A_266 = vector.broadcast %and3A_265 : i32 to vector<16xi32>
      %and3A_267 = arith.andi %convert_element_type3A_246, %and3A_266 : vector<16xi32>
      %and3A_268 = arith.andi %select_n3A_264, %and3A_267 : vector<16xi32>
      %or3A_269 = arith.ori %select_n3A_256, %and3A_268 : vector<16xi32>
      %add3A_270 = arith.addi %convert_element_type3A_246, %or3A_269 : vector<16xi32>
      %max3A_271 = arith.constant 0 : i32
      %max3A_272 = vector.broadcast %max3A_271 : i32 to vector<16xi32>
      %max3A_273 = arith.maxsi %add3A_270, %max3A_272 : vector<16xi32>
      %min3A_274 = arith.constant 99 : i32
      %min3A_275 = vector.broadcast %min3A_274 : i32 to vector<16xi32>
      %min3A_276 = arith.minsi %max3A_273, %min3A_275 : vector<16xi32>
      %gt3A_277 = arith.constant 5.000000e-01 : f32
      %gt3A_278 = vector.broadcast %gt3A_277 : f32 to vector<16xf32>
      %gt3A_279 = arith.cmpf ogt, %div3A_239, %gt3A_278 : vector<16xf32>
      %jit3A_280 = arith.constant 1.000000e+00 : f32
      %jit3A_281 = arith.constant 0.000000e+00 : f32
      %broadcast_in_dim3A_282 = vector.broadcast %jit3A_280 : f32 to vector<16xf32>
      %broadcast_in_dim3A_283 = vector.broadcast %jit3A_281 : f32 to vector<16xf32>
      %select_n3A_284 = arith.select %gt3A_279, %broadcast_in_dim3A_282, %broadcast_in_dim3A_283 : vector<16xi1>, vector<16xf32>
      %swap3A_285 = arith.index_cast %select_n3A_97 : i32 to index
      %swap3A_286 = arith.constant 32 : index
      %swap3A_287 = tpu.vector_load %arg7[%swap3A_285, %swap3A_286] {strides = array<i32>} : memref<2x256xi32, #tpu.memory_space<vmem>>, vector<16xi32>,
      tpu.vector_store %arg7[%swap3A_285, %swap3A_286], %min3A_276 {strides = array<i32>} : memref<2x256xi32, #tpu.memory_space<vmem>>, vector<16xi32>,
      %add3A_288 = arith.constant 32 : i32
      %add3A_289 = vector.broadcast %add3A_288 : i32 to vector<16xi32>
      %add3A_290 = arith.addi %iota3A, %add3A_289 : vector<16xi32>
      %scatter3A_291 = arith.constant 0 : i32
      %scatter3A_292 = arith.constant 0 : i32
      %scatter3A_293 = tpu.memref_slice %arg6[%select_n3A_97, %scatter3A_291, %scatter3A_292] : memref<2x256x128xf32, #tpu.memory_space<vmem>> -> memref<1x256x128xf32, #tpu.memory_space<vmem>>
      %scatter3A_294 = tpu.memref_squeeze %scatter3A_293 : memref<1x256x128xf32, #tpu.memory_space<vmem>> -> memref<256x128xf32, #tpu.memory_space<vmem>>
      tpu.vector_store_idx %scatter3A_294[%add3A_290, %min3A_276], %select_n3A_284 : memref<256x128xf32, #tpu.memory_space<vmem>>[vector<16xi32>, vector<16xi32>], vector<16xf32>,
      %get3A_295 = arith.index_cast %scan3A_81 : i32 to index
      %get3A_296 = arith.constant 48 : index
      %get3A_297 = tpu.vector_load %arg5[%get3A_295, %get3A_296] {strides = array<i32>} : memref<64x256xf32, #tpu.memory_space<vmem>>, vector<16xf32>,
      %neg3A_298 = arith.constant 0.000000e+00 : f32
      %neg3A_299 = vector.broadcast %neg3A_298 : f32 to vector<16xf32>
      %neg3A_300 = arith.subf %neg3A_299, %get3A_297 : vector<16xf32>
      %exp3A_301 = math.exp %neg3A_300 : vector<16xf32>
      %add3A_302 = arith.constant 1.000000e+00 : f32
      %add3A_303 = vector.broadcast %add3A_302 : f32 to vector<16xf32>
      %add3A_304 = arith.addf %add3A_303, %exp3A_301 : vector<16xf32>
      %div3A_305 = arith.constant 1.000000e+00 : f32
      %div3A_306 = vector.broadcast %div3A_305 : f32 to vector<16xf32>
      %div3A_307 = arith.divf %div3A_306, %add3A_304 : vector<16xf32>
      %sub3A_308 = arith.constant 1.000000e+00 : f32
      %sub3A_309 = vector.broadcast %sub3A_308 : f32 to vector<16xf32>
      %sub3A_310 = arith.subf %sub3A_309, %div3A_307 : vector<16xf32>
      %mul3A_311 = arith.constant 9.900000e+01 : f32
      %mul3A_312 = vector.broadcast %mul3A_311 : f32 to vector<16xf32>
      %mul3A_313 = arith.mulf %sub3A_310, %mul3A_312 : vector<16xf32>
      %convert_element_type3A_314 = arith.fptosi %mul3A_313 : vector<16xf32> to vector<16xi32>
      %convert_element_type3A_315 = arith.sitofp %convert_element_type3A_314 : vector<16xi32> to vector<16xf32>
      %sub3A_316 = arith.subf %mul3A_313, %convert_element_type3A_315 : vector<16xf32>
      %gt3A_317 = arith.constant 5.000000e-01 : f32
      %gt3A_318 = vector.broadcast %gt3A_317 : f32 to vector<16xf32>
      %gt3A_319 = arith.cmpf ogt, %sub3A_316, %gt3A_318 : vector<16xf32>
      %jit3A_320 = arith.constant 1 : i32
      %jit3A_321 = arith.constant 0 : i32
      %broadcast_in_dim3A_322 = vector.broadcast %jit3A_320 : i32 to vector<16xi32>
      %broadcast_in_dim3A_323 = vector.broadcast %jit3A_321 : i32 to vector<16xi32>
      %select_n3A_324 = arith.select %gt3A_319, %broadcast_in_dim3A_322, %broadcast_in_dim3A_323 : vector<16xi1>, vector<16xi32>
      %eq3A_325 = arith.constant 5.000000e-01 : f32
      %eq3A_326 = vector.broadcast %eq3A_325 : f32 to vector<16xf32>
      %eq3A_327 = arith.cmpf oeq, %sub3A_316, %eq3A_326 : vector<16xf32>
      %jit3A_328 = arith.constant 1 : i32
      %jit3A_329 = arith.constant 0 : i32
      %broadcast_in_dim3A_330 = vector.broadcast %jit3A_328 : i32 to vector<16xi32>
      %broadcast_in_dim3A_331 = vector.broadcast %jit3A_329 : i32 to vector<16xi32>
      %select_n3A_332 = arith.select %eq3A_327, %broadcast_in_dim3A_330, %broadcast_in_dim3A_331 : vector<16xi1>, vector<16xi32>
      %and3A_333 = arith.constant 1 : i32
      %and3A_334 = vector.broadcast %and3A_333 : i32 to vector<16xi32>
      %and3A_335 = arith.andi %convert_element_type3A_314, %and3A_334 : vector<16xi32>
      %and3A_336 = arith.andi %select_n3A_332, %and3A_335 : vector<16xi32>
      %or3A_337 = arith.ori %select_n3A_324, %and3A_336 : vector<16xi32>
      %add3A_338 = arith.addi %convert_element_type3A_314, %or3A_337 : vector<16xi32>
      %max3A_339 = arith.constant 0 : i32
      %max3A_340 = vector.broadcast %max3A_339 : i32 to vector<16xi32>
      %max3A_341 = arith.maxsi %add3A_338, %max3A_340 : vector<16xi32>
      %min3A_342 = arith.constant 99 : i32
      %min3A_343 = vector.broadcast %min3A_342 : i32 to vector<16xi32>
      %min3A_344 = arith.minsi %max3A_341, %min3A_343 : vector<16xi32>
      %gt3A_345 = arith.constant 5.000000e-01 : f32
      %gt3A_346 = vector.broadcast %gt3A_345 : f32 to vector<16xf32>
      %gt3A_347 = arith.cmpf ogt, %div3A_307, %gt3A_346 : vector<16xf32>
      %jit3A_348 = arith.constant 1.000000e+00 : f32
      %jit3A_349 = arith.constant 0.000000e+00 : f32
      %broadcast_in_dim3A_350 = vector.broadcast %jit3A_348 : f32 to vector<16xf32>
      %broadcast_in_dim3A_351 = vector.broadcast %jit3A_349 : f32 to vector<16xf32>
      %select_n3A_352 = arith.select %gt3A_347, %broadcast_in_dim3A_350, %broadcast_in_dim3A_351 : vector<16xi1>, vector<16xf32>
      %swap3A_353 = arith.index_cast %select_n3A_97 : i32 to index
      %swap3A_354 = arith.constant 48 : index
      %swap3A_355 = tpu.vector_load %arg7[%swap3A_353, %swap3A_354] {strides = array<i32>} : memref<2x256xi32, #tpu.memory_space<vmem>>, vector<16xi32>,
      tpu.vector_store %arg7[%swap3A_353, %swap3A_354], %min3A_344 {strides = array<i32>} : memref<2x256xi32, #tpu.memory_space<vmem>>, vector<16xi32>,
      %add3A_356 = arith.constant 48 : i32
      %add3A_357 = vector.broadcast %add3A_356 : i32 to vector<16xi32>
      %add3A_358 = arith.addi %iota3A, %add3A_357 : vector<16xi32>
      %scatter3A_359 = arith.constant 0 : i32
      %scatter3A_360 = arith.constant 0 : i32
      %scatter3A_361 = tpu.memref_slice %arg6[%select_n3A_97, %scatter3A_359, %scatter3A_360] : memref<2x256x128xf32, #tpu.memory_space<vmem>> -> memref<1x256x128xf32, #tpu.memory_space<vmem>>
      %scatter3A_362 = tpu.memref_squeeze %scatter3A_361 : memref<1x256x128xf32, #tpu.memory_space<vmem>> -> memref<256x128xf32, #tpu.memory_space<vmem>>
      tpu.vector_store_idx %scatter3A_362[%add3A_358, %min3A_344], %select_n3A_352 : memref<256x128xf32, #tpu.memory_space<vmem>>[vector<16xi32>, vector<16xi32>], vector<16xf32>,
      %get3A_363 = arith.index_cast %scan3A_81 : i32 to index
      %get3A_364 = arith.constant 64 : index
      %get3A_365 = tpu.vector_load %arg5[%get3A_363, %get3A_364] {strides = array<i32>} : memref<64x256xf32, #tpu.memory_space<vmem>>, vector<16xf32>,
      %neg3A_366 = arith.constant 0.000000e+00 : f32
      %neg3A_367 = vector.broadcast %neg3A_366 : f32 to vector<16xf32>
      %neg3A_368 = arith.subf %neg3A_367, %get3A_365 : vector<16xf32>
      %exp3A_369 = math.exp %neg3A_368 : vector<16xf32>
      %add3A_370 = arith.constant 1.000000e+00 : f32
      %add3A_371 = vector.broadcast %add3A_370 : f32 to vector<16xf32>
      %add3A_372 = arith.addf %add3A_371, %exp3A_369 : vector<16xf32>
      %div3A_373 = arith.constant 1.000000e+00 : f32
      %div3A_374 = vector.broadcast %div3A_373 : f32 to vector<16xf32>
      %div3A_375 = arith.divf %div3A_374, %add3A_372 : vector<16xf32>
      %sub3A_376 = arith.constant 1.000000e+00 : f32
      %sub3A_377 = vector.broadcast %sub3A_376 : f32 to vector<16xf32>
      %sub3A_378 = arith.subf %sub3A_377, %div3A_375 : vector<16xf32>
      %mul3A_379 = arith.constant 9.900000e+01 : f32
      %mul3A_380 = vector.broadcast %mul3A_379 : f32 to vector<16xf32>
      %mul3A_381 = arith.mulf %sub3A_378, %mul3A_380 : vector<16xf32>
      %convert_element_type3A_382 = arith.fptosi %mul3A_381 : vector<16xf32> to vector<16xi32>
      %convert_element_type3A_383 = arith.sitofp %convert_element_type3A_382 : vector<16xi32> to vector<16xf32>
      %sub3A_384 = arith.subf %mul3A_381, %convert_element_type3A_383 : vector<16xf32>
      %gt3A_385 = arith.constant 5.000000e-01 : f32
      %gt3A_386 = vector.broadcast %gt3A_385 : f32 to vector<16xf32>
      %gt3A_387 = arith.cmpf ogt, %sub3A_384, %gt3A_386 : vector<16xf32>
      %jit3A_388 = arith.constant 1 : i32
      %jit3A_389 = arith.constant 0 : i32
      %broadcast_in_dim3A_390 = vector.broadcast %jit3A_388 : i32 to vector<16xi32>
      %broadcast_in_dim3A_391 = vector.broadcast %jit3A_389 : i32 to vector<16xi32>
      %select_n3A_392 = arith.select %gt3A_387, %broadcast_in_dim3A_390, %broadcast_in_dim3A_391 : vector<16xi1>, vector<16xi32>
      %eq3A_393 = arith.constant 5.000000e-01 : f32
      %eq3A_394 = vector.broadcast %eq3A_393 : f32 to vector<16xf32>
      %eq3A_395 = arith.cmpf oeq, %sub3A_384, %eq3A_394 : vector<16xf32>
      %jit3A_396 = arith.constant 1 : i32
      %jit3A_397 = arith.constant 0 : i32
      %broadcast_in_dim3A_398 = vector.broadcast %jit3A_396 : i32 to vector<16xi32>
      %broadcast_in_dim3A_399 = vector.broadcast %jit3A_397 : i32 to vector<16xi32>
      %select_n3A_400 = arith.select %eq3A_395, %broadcast_in_dim3A_398, %broadcast_in_dim3A_399 : vector<16xi1>, vector<16xi32>
      %and3A_401 = arith.constant 1 : i32
      %and3A_402 = vector.broadcast %and3A_401 : i32 to vector<16xi32>
      %and3A_403 = arith.andi %convert_element_type3A_382, %and3A_402 : vector<16xi32>
      %and3A_404 = arith.andi %select_n3A_400, %and3A_403 : vector<16xi32>
      %or3A_405 = arith.ori %select_n3A_392, %and3A_404 : vector<16xi32>
      %add3A_406 = arith.addi %convert_element_type3A_382, %or3A_405 : vector<16xi32>
      %max3A_407 = arith.constant 0 : i32
      %max3A_408 = vector.broadcast %max3A_407 : i32 to vector<16xi32>
      %max3A_409 = arith.maxsi %add3A_406, %max3A_408 : vector<16xi32>
      %min3A_410 = arith.constant 99 : i32
      %min3A_411 = vector.broadcast %min3A_410 : i32 to vector<16xi32>
      %min3A_412 = arith.minsi %max3A_409, %min3A_411 : vector<16xi32>
      %gt3A_413 = arith.constant 5.000000e-01 : f32
      %gt3A_414 = vector.broadcast %gt3A_413 : f32 to vector<16xf32>
      %gt3A_415 = arith.cmpf ogt, %div3A_375, %gt3A_414 : vector<16xf32>
      %jit3A_416 = arith.constant 1.000000e+00 : f32
      %jit3A_417 = arith.constant 0.000000e+00 : f32
      %broadcast_in_dim3A_418 = vector.broadcast %jit3A_416 : f32 to vector<16xf32>
      %broadcast_in_dim3A_419 = vector.broadcast %jit3A_417 : f32 to vector<16xf32>
      %select_n3A_420 = arith.select %gt3A_415, %broadcast_in_dim3A_418, %broadcast_in_dim3A_419 : vector<16xi1>, vector<16xf32>
      %swap3A_421 = arith.index_cast %select_n3A_97 : i32 to index
      %swap3A_422 = arith.constant 64 : index
      %swap3A_423 = tpu.vector_load %arg7[%swap3A_421, %swap3A_422] {strides = array<i32>} : memref<2x256xi32, #tpu.memory_space<vmem>>, vector<16xi32>,
      tpu.vector_store %arg7[%swap3A_421, %swap3A_422], %min3A_412 {strides = array<i32>} : memref<2x256xi32, #tpu.memory_space<vmem>>, vector<16xi32>,
      %add3A_424 = arith.constant 64 : i32
      %add3A_425 = vector.broadcast %add3A_424 : i32 to vector<16xi32>
      %add3A_426 = arith.addi %iota3A, %add3A_425 : vector<16xi32>
      %scatter3A_427 = arith.constant 0 : i32
      %scatter3A_428 = arith.constant 0 : i32
      %scatter3A_429 = tpu.memref_slice %arg6[%select_n3A_97, %scatter3A_427, %scatter3A_428] : memref<2x256x128xf32, #tpu.memory_space<vmem>> -> memref<1x256x128xf32, #tpu.memory_space<vmem>>
      %scatter3A_430 = tpu.memref_squeeze %scatter3A_429 : memref<1x256x128xf32, #tpu.memory_space<vmem>> -> memref<256x128xf32, #tpu.memory_space<vmem>>
      tpu.vector_store_idx %scatter3A_430[%add3A_426, %min3A_412], %select_n3A_420 : memref<256x128xf32, #tpu.memory_space<vmem>>[vector<16xi32>, vector<16xi32>], vector<16xf32>,
      %get3A_431 = arith.index_cast %scan3A_81 : i32 to index
      %get3A_432 = arith.constant 80 : index
      %get3A_433 = tpu.vector_load %arg5[%get3A_431, %get3A_432] {strides = array<i32>} : memref<64x256xf32, #tpu.memory_space<vmem>>, vector<16xf32>,
      %neg3A_434 = arith.constant 0.000000e+00 : f32
      %neg3A_435 = vector.broadcast %neg3A_434 : f32 to vector<16xf32>
      %neg3A_436 = arith.subf %neg3A_435, %get3A_433 : vector<16xf32>
      %exp3A_437 = math.exp %neg3A_436 : vector<16xf32>
      %add3A_438 = arith.constant 1.000000e+00 : f32
      %add3A_439 = vector.broadcast %add3A_438 : f32 to vector<16xf32>
      %add3A_440 = arith.addf %add3A_439, %exp3A_437 : vector<16xf32>
      %div3A_441 = arith.constant 1.000000e+00 : f32
      %div3A_442 = vector.broadcast %div3A_441 : f32 to vector<16xf32>
      %div3A_443 = arith.divf %div3A_442, %add3A_440 : vector<16xf32>
      %sub3A_444 = arith.constant 1.000000e+00 : f32
      %sub3A_445 = vector.broadcast %sub3A_444 : f32 to vector<16xf32>
      %sub3A_446 = arith.subf %sub3A_445, %div3A_443 : vector<16xf32>
      %mul3A_447 = arith.constant 9.900000e+01 : f32
      %mul3A_448 = vector.broadcast %mul3A_447 : f32 to vector<16xf32>
      %mul3A_449 = arith.mulf %sub3A_446, %mul3A_448 : vector<16xf32>
      %convert_element_type3A_450 = arith.fptosi %mul3A_449 : vector<16xf32> to vector<16xi32>
      %convert_element_type3A_451 = arith.sitofp %convert_element_type3A_450 : vector<16xi32> to vector<16xf32>
      %sub3A_452 = arith.subf %mul3A_449, %convert_element_type3A_451 : vector<16xf32>
      %gt3A_453 = arith.constant 5.000000e-01 : f32
      %gt3A_454 = vector.broadcast %gt3A_453 : f32 to vector<16xf32>
      %gt3A_455 = arith.cmpf ogt, %sub3A_452, %gt3A_454 : vector<16xf32>
      %jit3A_456 = arith.constant 1 : i32
      %jit3A_457 = arith.constant 0 : i32
      %broadcast_in_dim3A_458 = vector.broadcast %jit3A_456 : i32 to vector<16xi32>
      %broadcast_in_dim3A_459 = vector.broadcast %jit3A_457 : i32 to vector<16xi32>
      %select_n3A_460 = arith.select %gt3A_455, %broadcast_in_dim3A_458, %broadcast_in_dim3A_459 : vector<16xi1>, vector<16xi32>
      %eq3A_461 = arith.constant 5.000000e-01 : f32
      %eq3A_462 = vector.broadcast %eq3A_461 : f32 to vector<16xf32>
      %eq3A_463 = arith.cmpf oeq, %sub3A_452, %eq3A_462 : vector<16xf32>
      %jit3A_464 = arith.constant 1 : i32
      %jit3A_465 = arith.constant 0 : i32
      %broadcast_in_dim3A_466 = vector.broadcast %jit3A_464 : i32 to vector<16xi32>
      %broadcast_in_dim3A_467 = vector.broadcast %jit3A_465 : i32 to vector<16xi32>
      %select_n3A_468 = arith.select %eq3A_463, %broadcast_in_dim3A_466, %broadcast_in_dim3A_467 : vector<16xi1>, vector<16xi32>
      %and3A_469 = arith.constant 1 : i32
      %and3A_470 = vector.broadcast %and3A_469 : i32 to vector<16xi32>
      %and3A_471 = arith.andi %convert_element_type3A_450, %and3A_470 : vector<16xi32>
      %and3A_472 = arith.andi %select_n3A_468, %and3A_471 : vector<16xi32>
      %or3A_473 = arith.ori %select_n3A_460, %and3A_472 : vector<16xi32>
      %add3A_474 = arith.addi %convert_element_type3A_450, %or3A_473 : vector<16xi32>
      %max3A_475 = arith.constant 0 : i32
      %max3A_476 = vector.broadcast %max3A_475 : i32 to vector<16xi32>
      %max3A_477 = arith.maxsi %add3A_474, %max3A_476 : vector<16xi32>
      %min3A_478 = arith.constant 99 : i32
      %min3A_479 = vector.broadcast %min3A_478 : i32 to vector<16xi32>
      %min3A_480 = arith.minsi %max3A_477, %min3A_479 : vector<16xi32>
      %gt3A_481 = arith.constant 5.000000e-01 : f32
      %gt3A_482 = vector.broadcast %gt3A_481 : f32 to vector<16xf32>
      %gt3A_483 = arith.cmpf ogt, %div3A_443, %gt3A_482 : vector<16xf32>
      %jit3A_484 = arith.constant 1.000000e+00 : f32
      %jit3A_485 = arith.constant 0.000000e+00 : f32
      %broadcast_in_dim3A_486 = vector.broadcast %jit3A_484 : f32 to vector<16xf32>
      %broadcast_in_dim3A_487 = vector.broadcast %jit3A_485 : f32 to vector<16xf32>
      %select_n3A_488 = arith.select %gt3A_483, %broadcast_in_dim3A_486, %broadcast_in_dim3A_487 : vector<16xi1>, vector<16xf32>
      %swap3A_489 = arith.index_cast %select_n3A_97 : i32 to index
      %swap3A_490 = arith.constant 80 : index
      %swap3A_491 = tpu.vector_load %arg7[%swap3A_489, %swap3A_490] {strides = array<i32>} : memref<2x256xi32, #tpu.memory_space<vmem>>, vector<16xi32>,
      tpu.vector_store %arg7[%swap3A_489, %swap3A_490], %min3A_480 {strides = array<i32>} : memref<2x256xi32, #tpu.memory_space<vmem>>, vector<16xi32>,
      %add3A_492 = arith.constant 80 : i32
      %add3A_493 = vector.broadcast %add3A_492 : i32 to vector<16xi32>
      %add3A_494 = arith.addi %iota3A, %add3A_493 : vector<16xi32>
      %scatter3A_495 = arith.constant 0 : i32
      %scatter3A_496 = arith.constant 0 : i32
      %scatter3A_497 = tpu.memref_slice %arg6[%select_n3A_97, %scatter3A_495, %scatter3A_496] : memref<2x256x128xf32, #tpu.memory_space<vmem>> -> memref<1x256x128xf32, #tpu.memory_space<vmem>>
      %scatter3A_498 = tpu.memref_squeeze %scatter3A_497 : memref<1x256x128xf32, #tpu.memory_space<vmem>> -> memref<256x128xf32, #tpu.memory_space<vmem>>
      tpu.vector_store_idx %scatter3A_498[%add3A_494, %min3A_480], %select_n3A_488 : memref<256x128xf32, #tpu.memory_space<vmem>>[vector<16xi32>, vector<16xi32>], vector<16xf32>,
      %get3A_499 = arith.index_cast %scan3A_81 : i32 to index
      %get3A_500 = arith.constant 96 : index
      %get3A_501 = tpu.vector_load %arg5[%get3A_499, %get3A_500] {strides = array<i32>} : memref<64x256xf32, #tpu.memory_space<vmem>>, vector<16xf32>,
      %neg3A_502 = arith.constant 0.000000e+00 : f32
      %neg3A_503 = vector.broadcast %neg3A_502 : f32 to vector<16xf32>
      %neg3A_504 = arith.subf %neg3A_503, %get3A_501 : vector<16xf32>
      %exp3A_505 = math.exp %neg3A_504 : vector<16xf32>
      %add3A_506 = arith.constant 1.000000e+00 : f32
      %add3A_507 = vector.broadcast %add3A_506 : f32 to vector<16xf32>
      %add3A_508 = arith.addf %add3A_507, %exp3A_505 : vector<16xf32>
      %div3A_509 = arith.constant 1.000000e+00 : f32
      %div3A_510 = vector.broadcast %div3A_509 : f32 to vector<16xf32>
      %div3A_511 = arith.divf %div3A_510, %add3A_508 : vector<16xf32>
      %sub3A_512 = arith.constant 1.000000e+00 : f32
      %sub3A_513 = vector.broadcast %sub3A_512 : f32 to vector<16xf32>
      %sub3A_514 = arith.subf %sub3A_513, %div3A_511 : vector<16xf32>
      %mul3A_515 = arith.constant 9.900000e+01 : f32
      %mul3A_516 = vector.broadcast %mul3A_515 : f32 to vector<16xf32>
      %mul3A_517 = arith.mulf %sub3A_514, %mul3A_516 : vector<16xf32>
      %convert_element_type3A_518 = arith.fptosi %mul3A_517 : vector<16xf32> to vector<16xi32>
      %convert_element_type3A_519 = arith.sitofp %convert_element_type3A_518 : vector<16xi32> to vector<16xf32>
      %sub3A_520 = arith.subf %mul3A_517, %convert_element_type3A_519 : vector<16xf32>
      %gt3A_521 = arith.constant 5.000000e-01 : f32
      %gt3A_522 = vector.broadcast %gt3A_521 : f32 to vector<16xf32>
      %gt3A_523 = arith.cmpf ogt, %sub3A_520, %gt3A_522 : vector<16xf32>
      %jit3A_524 = arith.constant 1 : i32
      %jit3A_525 = arith.constant 0 : i32
      %broadcast_in_dim3A_526 = vector.broadcast %jit3A_524 : i32 to vector<16xi32>
      %broadcast_in_dim3A_527 = vector.broadcast %jit3A_525 : i32 to vector<16xi32>
      %select_n3A_528 = arith.select %gt3A_523, %broadcast_in_dim3A_526, %broadcast_in_dim3A_527 : vector<16xi1>, vector<16xi32>
      %eq3A_529 = arith.constant 5.000000e-01 : f32
      %eq3A_530 = vector.broadcast %eq3A_529 : f32 to vector<16xf32>
      %eq3A_531 = arith.cmpf oeq, %sub3A_520, %eq3A_530 : vector<16xf32>
      %jit3A_532 = arith.constant 1 : i32
      %jit3A_533 = arith.constant 0 : i32
      %broadcast_in_dim3A_534 = vector.broadcast %jit3A_532 : i32 to vector<16xi32>
      %broadcast_in_dim3A_535 = vector.broadcast %jit3A_533 : i32 to vector<16xi32>
      %select_n3A_536 = arith.select %eq3A_531, %broadcast_in_dim3A_534, %broadcast_in_dim3A_535 : vector<16xi1>, vector<16xi32>
      %and3A_537 = arith.constant 1 : i32
      %and3A_538 = vector.broadcast %and3A_537 : i32 to vector<16xi32>
      %and3A_539 = arith.andi %convert_element_type3A_518, %and3A_538 : vector<16xi32>
      %and3A_540 = arith.andi %select_n3A_536, %and3A_539 : vector<16xi32>
      %or3A_541 = arith.ori %select_n3A_528, %and3A_540 : vector<16xi32>
      %add3A_542 = arith.addi %convert_element_type3A_518, %or3A_541 : vector<16xi32>
      %max3A_543 = arith.constant 0 : i32
      %max3A_544 = vector.broadcast %max3A_543 : i32 to vector<16xi32>
      %max3A_545 = arith.maxsi %add3A_542, %max3A_544 : vector<16xi32>
      %min3A_546 = arith.constant 99 : i32
      %min3A_547 = vector.broadcast %min3A_546 : i32 to vector<16xi32>
      %min3A_548 = arith.minsi %max3A_545, %min3A_547 : vector<16xi32>
      %gt3A_549 = arith.constant 5.000000e-01 : f32
      %gt3A_550 = vector.broadcast %gt3A_549 : f32 to vector<16xf32>
      %gt3A_551 = arith.cmpf ogt, %div3A_511, %gt3A_550 : vector<16xf32>
      %jit3A_552 = arith.constant 1.000000e+00 : f32
      %jit3A_553 = arith.constant 0.000000e+00 : f32
      %broadcast_in_dim3A_554 = vector.broadcast %jit3A_552 : f32 to vector<16xf32>
      %broadcast_in_dim3A_555 = vector.broadcast %jit3A_553 : f32 to vector<16xf32>
      %select_n3A_556 = arith.select %gt3A_551, %broadcast_in_dim3A_554, %broadcast_in_dim3A_555 : vector<16xi1>, vector<16xf32>
      %swap3A_557 = arith.index_cast %select_n3A_97 : i32 to index
      %swap3A_558 = arith.constant 96 : index
      %swap3A_559 = tpu.vector_load %arg7[%swap3A_557, %swap3A_558] {strides = array<i32>} : memref<2x256xi32, #tpu.memory_space<vmem>>, vector<16xi32>,
      tpu.vector_store %arg7[%swap3A_557, %swap3A_558], %min3A_548 {strides = array<i32>} : memref<2x256xi32, #tpu.memory_space<vmem>>, vector<16xi32>,
      %add3A_560 = arith.constant 96 : i32
      %add3A_561 = vector.broadcast %add3A_560 : i32 to vector<16xi32>
      %add3A_562 = arith.addi %iota3A, %add3A_561 : vector<16xi32>
      %scatter3A_563 = arith.constant 0 : i32
      %scatter3A_564 = arith.constant 0 : i32
      %scatter3A_565 = tpu.memref_slice %arg6[%select_n3A_97, %scatter3A_563, %scatter3A_564] : memref<2x256x128xf32, #tpu.memory_space<vmem>> -> memref<1x256x128xf32, #tpu.memory_space<vmem>>
      %scatter3A_566 = tpu.memref_squeeze %scatter3A_565 : memref<1x256x128xf32, #tpu.memory_space<vmem>> -> memref<256x128xf32, #tpu.memory_space<vmem>>
      tpu.vector_store_idx %scatter3A_566[%add3A_562, %min3A_548], %select_n3A_556 : memref<256x128xf32, #tpu.memory_space<vmem>>[vector<16xi32>, vector<16xi32>], vector<16xf32>,
      %get3A_567 = arith.index_cast %scan3A_81 : i32 to index
      %get3A_568 = arith.constant 112 : index
      %get3A_569 = tpu.vector_load %arg5[%get3A_567, %get3A_568] {strides = array<i32>} : memref<64x256xf32, #tpu.memory_space<vmem>>, vector<16xf32>,
      %neg3A_570 = arith.constant 0.000000e+00 : f32
      %neg3A_571 = vector.broadcast %neg3A_570 : f32 to vector<16xf32>
      %neg3A_572 = arith.subf %neg3A_571, %get3A_569 : vector<16xf32>
      %exp3A_573 = math.exp %neg3A_572 : vector<16xf32>
      %add3A_574 = arith.constant 1.000000e+00 : f32
      %add3A_575 = vector.broadcast %add3A_574 : f32 to vector<16xf32>
      %add3A_576 = arith.addf %add3A_575, %exp3A_573 : vector<16xf32>
      %div3A_577 = arith.constant 1.000000e+00 : f32
      %div3A_578 = vector.broadcast %div3A_577 : f32 to vector<16xf32>
      %div3A_579 = arith.divf %div3A_578, %add3A_576 : vector<16xf32>
      %sub3A_580 = arith.constant 1.000000e+00 : f32
      %sub3A_581 = vector.broadcast %sub3A_580 : f32 to vector<16xf32>
      %sub3A_582 = arith.subf %sub3A_581, %div3A_579 : vector<16xf32>
      %mul3A_583 = arith.constant 9.900000e+01 : f32
      %mul3A_584 = vector.broadcast %mul3A_583 : f32 to vector<16xf32>
      %mul3A_585 = arith.mulf %sub3A_582, %mul3A_584 : vector<16xf32>
      %convert_element_type3A_586 = arith.fptosi %mul3A_585 : vector<16xf32> to vector<16xi32>
      %convert_element_type3A_587 = arith.sitofp %convert_element_type3A_586 : vector<16xi32> to vector<16xf32>
      %sub3A_588 = arith.subf %mul3A_585, %convert_element_type3A_587 : vector<16xf32>
      %gt3A_589 = arith.constant 5.000000e-01 : f32
      %gt3A_590 = vector.broadcast %gt3A_589 : f32 to vector<16xf32>
      %gt3A_591 = arith.cmpf ogt, %sub3A_588, %gt3A_590 : vector<16xf32>
      %jit3A_592 = arith.constant 1 : i32
      %jit3A_593 = arith.constant 0 : i32
      %broadcast_in_dim3A_594 = vector.broadcast %jit3A_592 : i32 to vector<16xi32>
      %broadcast_in_dim3A_595 = vector.broadcast %jit3A_593 : i32 to vector<16xi32>
      %select_n3A_596 = arith.select %gt3A_591, %broadcast_in_dim3A_594, %broadcast_in_dim3A_595 : vector<16xi1>, vector<16xi32>
      %eq3A_597 = arith.constant 5.000000e-01 : f32
      %eq3A_598 = vector.broadcast %eq3A_597 : f32 to vector<16xf32>
      %eq3A_599 = arith.cmpf oeq, %sub3A_588, %eq3A_598 : vector<16xf32>
      %jit3A_600 = arith.constant 1 : i32
      %jit3A_601 = arith.constant 0 : i32
      %broadcast_in_dim3A_602 = vector.broadcast %jit3A_600 : i32 to vector<16xi32>
      %broadcast_in_dim3A_603 = vector.broadcast %jit3A_601 : i32 to vector<16xi32>
      %select_n3A_604 = arith.select %eq3A_599, %broadcast_in_dim3A_602, %broadcast_in_dim3A_603 : vector<16xi1>, vector<16xi32>
      %and3A_605 = arith.constant 1 : i32
      %and3A_606 = vector.broadcast %and3A_605 : i32 to vector<16xi32>
      %and3A_607 = arith.andi %convert_element_type3A_586, %and3A_606 : vector<16xi32>
      %and3A_608 = arith.andi %select_n3A_604, %and3A_607 : vector<16xi32>
      %or3A_609 = arith.ori %select_n3A_596, %and3A_608 : vector<16xi32>
      %add3A_610 = arith.addi %convert_element_type3A_586, %or3A_609 : vector<16xi32>
      %max3A_611 = arith.constant 0 : i32
      %max3A_612 = vector.broadcast %max3A_611 : i32 to vector<16xi32>
      %max3A_613 = arith.maxsi %add3A_610, %max3A_612 : vector<16xi32>
      %min3A_614 = arith.constant 99 : i32
      %min3A_615 = vector.broadcast %min3A_614 : i32 to vector<16xi32>
      %min3A_616 = arith.minsi %max3A_613, %min3A_615 : vector<16xi32>
      %gt3A_617 = arith.constant 5.000000e-01 : f32
      %gt3A_618 = vector.broadcast %gt3A_617 : f32 to vector<16xf32>
      %gt3A_619 = arith.cmpf ogt, %div3A_579, %gt3A_618 : vector<16xf32>
      %jit3A_620 = arith.constant 1.000000e+00 : f32
      %jit3A_621 = arith.constant 0.000000e+00 : f32
      %broadcast_in_dim3A_622 = vector.broadcast %jit3A_620 : f32 to vector<16xf32>
      %broadcast_in_dim3A_623 = vector.broadcast %jit3A_621 : f32 to vector<16xf32>
      %select_n3A_624 = arith.select %gt3A_619, %broadcast_in_dim3A_622, %broadcast_in_dim3A_623 : vector<16xi1>, vector<16xf32>
      %swap3A_625 = arith.index_cast %select_n3A_97 : i32 to index
      %swap3A_626 = arith.constant 112 : index
      %swap3A_627 = tpu.vector_load %arg7[%swap3A_625, %swap3A_626] {strides = array<i32>} : memref<2x256xi32, #tpu.memory_space<vmem>>, vector<16xi32>,
      tpu.vector_store %arg7[%swap3A_625, %swap3A_626], %min3A_616 {strides = array<i32>} : memref<2x256xi32, #tpu.memory_space<vmem>>, vector<16xi32>,
      %add3A_628 = arith.constant 112 : i32
      %add3A_629 = vector.broadcast %add3A_628 : i32 to vector<16xi32>
      %add3A_630 = arith.addi %iota3A, %add3A_629 : vector<16xi32>
      %scatter3A_631 = arith.constant 0 : i32
      %scatter3A_632 = arith.constant 0 : i32
      %scatter3A_633 = tpu.memref_slice %arg6[%select_n3A_97, %scatter3A_631, %scatter3A_632] : memref<2x256x128xf32, #tpu.memory_space<vmem>> -> memref<1x256x128xf32, #tpu.memory_space<vmem>>
      %scatter3A_634 = tpu.memref_squeeze %scatter3A_633 : memref<1x256x128xf32, #tpu.memory_space<vmem>> -> memref<256x128xf32, #tpu.memory_space<vmem>>
      tpu.vector_store_idx %scatter3A_634[%add3A_630, %min3A_616], %select_n3A_624 : memref<256x128xf32, #tpu.memory_space<vmem>>[vector<16xi32>, vector<16xi32>], vector<16xf32>,
      %get3A_635 = arith.index_cast %scan3A_81 : i32 to index
      %get3A_636 = arith.constant 128 : index
      %get3A_637 = tpu.vector_load %arg5[%get3A_635, %get3A_636] {strides = array<i32>} : memref<64x256xf32, #tpu.memory_space<vmem>>, vector<16xf32>,
      %neg3A_638 = arith.constant 0.000000e+00 : f32
      %neg3A_639 = vector.broadcast %neg3A_638 : f32 to vector<16xf32>
      %neg3A_640 = arith.subf %neg3A_639, %get3A_637 : vector<16xf32>
      %exp3A_641 = math.exp %neg3A_640 : vector<16xf32>
      %add3A_642 = arith.constant 1.000000e+00 : f32
      %add3A_643 = vector.broadcast %add3A_642 : f32 to vector<16xf32>
      %add3A_644 = arith.addf %add3A_643, %exp3A_641 : vector<16xf32>
      %div3A_645 = arith.constant 1.000000e+00 : f32
      %div3A_646 = vector.broadcast %div3A_645 : f32 to vector<16xf32>
      %div3A_647 = arith.divf %div3A_646, %add3A_644 : vector<16xf32>
      %sub3A_648 = arith.constant 1.000000e+00 : f32
      %sub3A_649 = vector.broadcast %sub3A_648 : f32 to vector<16xf32>
      %sub3A_650 = arith.subf %sub3A_649, %div3A_647 : vector<16xf32>
      %mul3A_651 = arith.constant 9.900000e+01 : f32
      %mul3A_652 = vector.broadcast %mul3A_651 : f32 to vector<16xf32>
      %mul3A_653 = arith.mulf %sub3A_650, %mul3A_652 : vector<16xf32>
      %convert_element_type3A_654 = arith.fptosi %mul3A_653 : vector<16xf32> to vector<16xi32>
      %convert_element_type3A_655 = arith.sitofp %convert_element_type3A_654 : vector<16xi32> to vector<16xf32>
      %sub3A_656 = arith.subf %mul3A_653, %convert_element_type3A_655 : vector<16xf32>
      %gt3A_657 = arith.constant 5.000000e-01 : f32
      %gt3A_658 = vector.broadcast %gt3A_657 : f32 to vector<16xf32>
      %gt3A_659 = arith.cmpf ogt, %sub3A_656, %gt3A_658 : vector<16xf32>
      %jit3A_660 = arith.constant 1 : i32
      %jit3A_661 = arith.constant 0 : i32
      %broadcast_in_dim3A_662 = vector.broadcast %jit3A_660 : i32 to vector<16xi32>
      %broadcast_in_dim3A_663 = vector.broadcast %jit3A_661 : i32 to vector<16xi32>
      %select_n3A_664 = arith.select %gt3A_659, %broadcast_in_dim3A_662, %broadcast_in_dim3A_663 : vector<16xi1>, vector<16xi32>
      %eq3A_665 = arith.constant 5.000000e-01 : f32
      %eq3A_666 = vector.broadcast %eq3A_665 : f32 to vector<16xf32>
      %eq3A_667 = arith.cmpf oeq, %sub3A_656, %eq3A_666 : vector<16xf32>
      %jit3A_668 = arith.constant 1 : i32
      %jit3A_669 = arith.constant 0 : i32
      %broadcast_in_dim3A_670 = vector.broadcast %jit3A_668 : i32 to vector<16xi32>
      %broadcast_in_dim3A_671 = vector.broadcast %jit3A_669 : i32 to vector<16xi32>
      %select_n3A_672 = arith.select %eq3A_667, %broadcast_in_dim3A_670, %broadcast_in_dim3A_671 : vector<16xi1>, vector<16xi32>
      %and3A_673 = arith.constant 1 : i32
      %and3A_674 = vector.broadcast %and3A_673 : i32 to vector<16xi32>
      %and3A_675 = arith.andi %convert_element_type3A_654, %and3A_674 : vector<16xi32>
      %and3A_676 = arith.andi %select_n3A_672, %and3A_675 : vector<16xi32>
      %or3A_677 = arith.ori %select_n3A_664, %and3A_676 : vector<16xi32>
      %add3A_678 = arith.addi %convert_element_type3A_654, %or3A_677 : vector<16xi32>
      %max3A_679 = arith.constant 0 : i32
      %max3A_680 = vector.broadcast %max3A_679 : i32 to vector<16xi32>
      %max3A_681 = arith.maxsi %add3A_678, %max3A_680 : vector<16xi32>
      %min3A_682 = arith.constant 99 : i32
      %min3A_683 = vector.broadcast %min3A_682 : i32 to vector<16xi32>
      %min3A_684 = arith.minsi %max3A_681, %min3A_683 : vector<16xi32>
      %gt3A_685 = arith.constant 5.000000e-01 : f32
      %gt3A_686 = vector.broadcast %gt3A_685 : f32 to vector<16xf32>
      %gt3A_687 = arith.cmpf ogt, %div3A_647, %gt3A_686 : vector<16xf32>
      %jit3A_688 = arith.constant 1.000000e+00 : f32
      %jit3A_689 = arith.constant 0.000000e+00 : f32
      %broadcast_in_dim3A_690 = vector.broadcast %jit3A_688 : f32 to vector<16xf32>
      %broadcast_in_dim3A_691 = vector.broadcast %jit3A_689 : f32 to vector<16xf32>
      %select_n3A_692 = arith.select %gt3A_687, %broadcast_in_dim3A_690, %broadcast_in_dim3A_691 : vector<16xi1>, vector<16xf32>
      %swap3A_693 = arith.index_cast %select_n3A_97 : i32 to index
      %swap3A_694 = arith.constant 128 : index
      %swap3A_695 = tpu.vector_load %arg7[%swap3A_693, %swap3A_694] {strides = array<i32>} : memref<2x256xi32, #tpu.memory_space<vmem>>, vector<16xi32>,
      tpu.vector_store %arg7[%swap3A_693, %swap3A_694], %min3A_684 {strides = array<i32>} : memref<2x256xi32, #tpu.memory_space<vmem>>, vector<16xi32>,
      %add3A_696 = arith.constant 128 : i32
      %add3A_697 = vector.broadcast %add3A_696 : i32 to vector<16xi32>
      %add3A_698 = arith.addi %iota3A, %add3A_697 : vector<16xi32>
      %scatter3A_699 = arith.constant 0 : i32
      %scatter3A_700 = arith.constant 0 : i32
      %scatter3A_701 = tpu.memref_slice %arg6[%select_n3A_97, %scatter3A_699, %scatter3A_700] : memref<2x256x128xf32, #tpu.memory_space<vmem>> -> memref<1x256x128xf32, #tpu.memory_space<vmem>>
      %scatter3A_702 = tpu.memref_squeeze %scatter3A_701 : memref<1x256x128xf32, #tpu.memory_space<vmem>> -> memref<256x128xf32, #tpu.memory_space<vmem>>
      tpu.vector_store_idx %scatter3A_702[%add3A_698, %min3A_684], %select_n3A_692 : memref<256x128xf32, #tpu.memory_space<vmem>>[vector<16xi32>, vector<16xi32>], vector<16xf32>,
      %get3A_703 = arith.index_cast %scan3A_81 : i32 to index
      %get3A_704 = arith.constant 144 : index
      %get3A_705 = tpu.vector_load %arg5[%get3A_703, %get3A_704] {strides = array<i32>} : memref<64x256xf32, #tpu.memory_space<vmem>>, vector<16xf32>,
      %neg3A_706 = arith.constant 0.000000e+00 : f32
      %neg3A_707 = vector.broadcast %neg3A_706 : f32 to vector<16xf32>
      %neg3A_708 = arith.subf %neg3A_707, %get3A_705 : vector<16xf32>
      %exp3A_709 = math.exp %neg3A_708 : vector<16xf32>
      %add3A_710 = arith.constant 1.000000e+00 : f32
      %add3A_711 = vector.broadcast %add3A_710 : f32 to vector<16xf32>
      %add3A_712 = arith.addf %add3A_711, %exp3A_709 : vector<16xf32>
      %div3A_713 = arith.constant 1.000000e+00 : f32
      %div3A_714 = vector.broadcast %div3A_713 : f32 to vector<16xf32>
      %div3A_715 = arith.divf %div3A_714, %add3A_712 : vector<16xf32>
      %sub3A_716 = arith.constant 1.000000e+00 : f32
      %sub3A_717 = vector.broadcast %sub3A_716 : f32 to vector<16xf32>
      %sub3A_718 = arith.subf %sub3A_717, %div3A_715 : vector<16xf32>
      %mul3A_719 = arith.constant 9.900000e+01 : f32
      %mul3A_720 = vector.broadcast %mul3A_719 : f32 to vector<16xf32>
      %mul3A_721 = arith.mulf %sub3A_718, %mul3A_720 : vector<16xf32>
      %convert_element_type3A_722 = arith.fptosi %mul3A_721 : vector<16xf32> to vector<16xi32>
      %convert_element_type3A_723 = arith.sitofp %convert_element_type3A_722 : vector<16xi32> to vector<16xf32>
      %sub3A_724 = arith.subf %mul3A_721, %convert_element_type3A_723 : vector<16xf32>
      %gt3A_725 = arith.constant 5.000000e-01 : f32
      %gt3A_726 = vector.broadcast %gt3A_725 : f32 to vector<16xf32>
      %gt3A_727 = arith.cmpf ogt, %sub3A_724, %gt3A_726 : vector<16xf32>
      %jit3A_728 = arith.constant 1 : i32
      %jit3A_729 = arith.constant 0 : i32
      %broadcast_in_dim3A_730 = vector.broadcast %jit3A_728 : i32 to vector<16xi32>
      %broadcast_in_dim3A_731 = vector.broadcast %jit3A_729 : i32 to vector<16xi32>
      %select_n3A_732 = arith.select %gt3A_727, %broadcast_in_dim3A_730, %broadcast_in_dim3A_731 : vector<16xi1>, vector<16xi32>
      %eq3A_733 = arith.constant 5.000000e-01 : f32
      %eq3A_734 = vector.broadcast %eq3A_733 : f32 to vector<16xf32>
      %eq3A_735 = arith.cmpf oeq, %sub3A_724, %eq3A_734 : vector<16xf32>
      %jit3A_736 = arith.constant 1 : i32
      %jit3A_737 = arith.constant 0 : i32
      %broadcast_in_dim3A_738 = vector.broadcast %jit3A_736 : i32 to vector<16xi32>
      %broadcast_in_dim3A_739 = vector.broadcast %jit3A_737 : i32 to vector<16xi32>
      %select_n3A_740 = arith.select %eq3A_735, %broadcast_in_dim3A_738, %broadcast_in_dim3A_739 : vector<16xi1>, vector<16xi32>
      %and3A_741 = arith.constant 1 : i32
      %and3A_742 = vector.broadcast %and3A_741 : i32 to vector<16xi32>
      %and3A_743 = arith.andi %convert_element_type3A_722, %and3A_742 : vector<16xi32>
      %and3A_744 = arith.andi %select_n3A_740, %and3A_743 : vector<16xi32>
      %or3A_745 = arith.ori %select_n3A_732, %and3A_744 : vector<16xi32>
      %add3A_746 = arith.addi %convert_element_type3A_722, %or3A_745 : vector<16xi32>
      %max3A_747 = arith.constant 0 : i32
      %max3A_748 = vector.broadcast %max3A_747 : i32 to vector<16xi32>
      %max3A_749 = arith.maxsi %add3A_746, %max3A_748 : vector<16xi32>
      %min3A_750 = arith.constant 99 : i32
      %min3A_751 = vector.broadcast %min3A_750 : i32 to vector<16xi32>
      %min3A_752 = arith.minsi %max3A_749, %min3A_751 : vector<16xi32>
      %gt3A_753 = arith.constant 5.000000e-01 : f32
      %gt3A_754 = vector.broadcast %gt3A_753 : f32 to vector<16xf32>
      %gt3A_755 = arith.cmpf ogt, %div3A_715, %gt3A_754 : vector<16xf32>
      %jit3A_756 = arith.constant 1.000000e+00 : f32
      %jit3A_757 = arith.constant 0.000000e+00 : f32
      %broadcast_in_dim3A_758 = vector.broadcast %jit3A_756 : f32 to vector<16xf32>
      %broadcast_in_dim3A_759 = vector.broadcast %jit3A_757 : f32 to vector<16xf32>
      %select_n3A_760 = arith.select %gt3A_755, %broadcast_in_dim3A_758, %broadcast_in_dim3A_759 : vector<16xi1>, vector<16xf32>
      %swap3A_761 = arith.index_cast %select_n3A_97 : i32 to index
      %swap3A_762 = arith.constant 144 : index
      %swap3A_763 = tpu.vector_load %arg7[%swap3A_761, %swap3A_762] {strides = array<i32>} : memref<2x256xi32, #tpu.memory_space<vmem>>, vector<16xi32>,
      tpu.vector_store %arg7[%swap3A_761, %swap3A_762], %min3A_752 {strides = array<i32>} : memref<2x256xi32, #tpu.memory_space<vmem>>, vector<16xi32>,
      %add3A_764 = arith.constant 144 : i32
      %add3A_765 = vector.broadcast %add3A_764 : i32 to vector<16xi32>
      %add3A_766 = arith.addi %iota3A, %add3A_765 : vector<16xi32>
      %scatter3A_767 = arith.constant 0 : i32
      %scatter3A_768 = arith.constant 0 : i32
      %scatter3A_769 = tpu.memref_slice %arg6[%select_n3A_97, %scatter3A_767, %scatter3A_768] : memref<2x256x128xf32, #tpu.memory_space<vmem>> -> memref<1x256x128xf32, #tpu.memory_space<vmem>>
      %scatter3A_770 = tpu.memref_squeeze %scatter3A_769 : memref<1x256x128xf32, #tpu.memory_space<vmem>> -> memref<256x128xf32, #tpu.memory_space<vmem>>
      tpu.vector_store_idx %scatter3A_770[%add3A_766, %min3A_752], %select_n3A_760 : memref<256x128xf32, #tpu.memory_space<vmem>>[vector<16xi32>, vector<16xi32>], vector<16xf32>,
      %get3A_771 = arith.index_cast %scan3A_81 : i32 to index
      %get3A_772 = arith.constant 160 : index
      %get3A_773 = tpu.vector_load %arg5[%get3A_771, %get3A_772] {strides = array<i32>} : memref<64x256xf32, #tpu.memory_space<vmem>>, vector<16xf32>,
      %neg3A_774 = arith.constant 0.000000e+00 : f32
      %neg3A_775 = vector.broadcast %neg3A_774 : f32 to vector<16xf32>
      %neg3A_776 = arith.subf %neg3A_775, %get3A_773 : vector<16xf32>
      %exp3A_777 = math.exp %neg3A_776 : vector<16xf32>
      %add3A_778 = arith.constant 1.000000e+00 : f32
      %add3A_779 = vector.broadcast %add3A_778 : f32 to vector<16xf32>
      %add3A_780 = arith.addf %add3A_779, %exp3A_777 : vector<16xf32>
      %div3A_781 = arith.constant 1.000000e+00 : f32
      %div3A_782 = vector.broadcast %div3A_781 : f32 to vector<16xf32>
      %div3A_783 = arith.divf %div3A_782, %add3A_780 : vector<16xf32>
      %sub3A_784 = arith.constant 1.000000e+00 : f32
      %sub3A_785 = vector.broadcast %sub3A_784 : f32 to vector<16xf32>
      %sub3A_786 = arith.subf %sub3A_785, %div3A_783 : vector<16xf32>
      %mul3A_787 = arith.constant 9.900000e+01 : f32
      %mul3A_788 = vector.broadcast %mul3A_787 : f32 to vector<16xf32>
      %mul3A_789 = arith.mulf %sub3A_786, %mul3A_788 : vector<16xf32>
      %convert_element_type3A_790 = arith.fptosi %mul3A_789 : vector<16xf32> to vector<16xi32>
      %convert_element_type3A_791 = arith.sitofp %convert_element_type3A_790 : vector<16xi32> to vector<16xf32>
      %sub3A_792 = arith.subf %mul3A_789, %convert_element_type3A_791 : vector<16xf32>
      %gt3A_793 = arith.constant 5.000000e-01 : f32
      %gt3A_794 = vector.broadcast %gt3A_793 : f32 to vector<16xf32>
      %gt3A_795 = arith.cmpf ogt, %sub3A_792, %gt3A_794 : vector<16xf32>
      %jit3A_796 = arith.constant 1 : i32
      %jit3A_797 = arith.constant 0 : i32
      %broadcast_in_dim3A_798 = vector.broadcast %jit3A_796 : i32 to vector<16xi32>
      %broadcast_in_dim3A_799 = vector.broadcast %jit3A_797 : i32 to vector<16xi32>
      %select_n3A_800 = arith.select %gt3A_795, %broadcast_in_dim3A_798, %broadcast_in_dim3A_799 : vector<16xi1>, vector<16xi32>
      %eq3A_801 = arith.constant 5.000000e-01 : f32
      %eq3A_802 = vector.broadcast %eq3A_801 : f32 to vector<16xf32>
      %eq3A_803 = arith.cmpf oeq, %sub3A_792, %eq3A_802 : vector<16xf32>
      %jit3A_804 = arith.constant 1 : i32
      %jit3A_805 = arith.constant 0 : i32
      %broadcast_in_dim3A_806 = vector.broadcast %jit3A_804 : i32 to vector<16xi32>
      %broadcast_in_dim3A_807 = vector.broadcast %jit3A_805 : i32 to vector<16xi32>
      %select_n3A_808 = arith.select %eq3A_803, %broadcast_in_dim3A_806, %broadcast_in_dim3A_807 : vector<16xi1>, vector<16xi32>
      %and3A_809 = arith.constant 1 : i32
      %and3A_810 = vector.broadcast %and3A_809 : i32 to vector<16xi32>
      %and3A_811 = arith.andi %convert_element_type3A_790, %and3A_810 : vector<16xi32>
      %and3A_812 = arith.andi %select_n3A_808, %and3A_811 : vector<16xi32>
      %or3A_813 = arith.ori %select_n3A_800, %and3A_812 : vector<16xi32>
      %add3A_814 = arith.addi %convert_element_type3A_790, %or3A_813 : vector<16xi32>
      %max3A_815 = arith.constant 0 : i32
      %max3A_816 = vector.broadcast %max3A_815 : i32 to vector<16xi32>
      %max3A_817 = arith.maxsi %add3A_814, %max3A_816 : vector<16xi32>
      %min3A_818 = arith.constant 99 : i32
      %min3A_819 = vector.broadcast %min3A_818 : i32 to vector<16xi32>
      %min3A_820 = arith.minsi %max3A_817, %min3A_819 : vector<16xi32>
      %gt3A_821 = arith.constant 5.000000e-01 : f32
      %gt3A_822 = vector.broadcast %gt3A_821 : f32 to vector<16xf32>
      %gt3A_823 = arith.cmpf ogt, %div3A_783, %gt3A_822 : vector<16xf32>
      %jit3A_824 = arith.constant 1.000000e+00 : f32
      %jit3A_825 = arith.constant 0.000000e+00 : f32
      %broadcast_in_dim3A_826 = vector.broadcast %jit3A_824 : f32 to vector<16xf32>
      %broadcast_in_dim3A_827 = vector.broadcast %jit3A_825 : f32 to vector<16xf32>
      %select_n3A_828 = arith.select %gt3A_823, %broadcast_in_dim3A_826, %broadcast_in_dim3A_827 : vector<16xi1>, vector<16xf32>
      %swap3A_829 = arith.index_cast %select_n3A_97 : i32 to index
      %swap3A_830 = arith.constant 160 : index
      %swap3A_831 = tpu.vector_load %arg7[%swap3A_829, %swap3A_830] {strides = array<i32>} : memref<2x256xi32, #tpu.memory_space<vmem>>, vector<16xi32>,
      tpu.vector_store %arg7[%swap3A_829, %swap3A_830], %min3A_820 {strides = array<i32>} : memref<2x256xi32, #tpu.memory_space<vmem>>, vector<16xi32>,
      %add3A_832 = arith.constant 160 : i32
      %add3A_833 = vector.broadcast %add3A_832 : i32 to vector<16xi32>
      %add3A_834 = arith.addi %iota3A, %add3A_833 : vector<16xi32>
      %scatter3A_835 = arith.constant 0 : i32
      %scatter3A_836 = arith.constant 0 : i32
      %scatter3A_837 = tpu.memref_slice %arg6[%select_n3A_97, %scatter3A_835, %scatter3A_836] : memref<2x256x128xf32, #tpu.memory_space<vmem>> -> memref<1x256x128xf32, #tpu.memory_space<vmem>>
      %scatter3A_838 = tpu.memref_squeeze %scatter3A_837 : memref<1x256x128xf32, #tpu.memory_space<vmem>> -> memref<256x128xf32, #tpu.memory_space<vmem>>
      tpu.vector_store_idx %scatter3A_838[%add3A_834, %min3A_820], %select_n3A_828 : memref<256x128xf32, #tpu.memory_space<vmem>>[vector<16xi32>, vector<16xi32>], vector<16xf32>,
      %get3A_839 = arith.index_cast %scan3A_81 : i32 to index
      %get3A_840 = arith.constant 176 : index
      %get3A_841 = tpu.vector_load %arg5[%get3A_839, %get3A_840] {strides = array<i32>} : memref<64x256xf32, #tpu.memory_space<vmem>>, vector<16xf32>,
      %neg3A_842 = arith.constant 0.000000e+00 : f32
      %neg3A_843 = vector.broadcast %neg3A_842 : f32 to vector<16xf32>
      %neg3A_844 = arith.subf %neg3A_843, %get3A_841 : vector<16xf32>
      %exp3A_845 = math.exp %neg3A_844 : vector<16xf32>
      %add3A_846 = arith.constant 1.000000e+00 : f32
      %add3A_847 = vector.broadcast %add3A_846 : f32 to vector<16xf32>
      %add3A_848 = arith.addf %add3A_847, %exp3A_845 : vector<16xf32>
      %div3A_849 = arith.constant 1.000000e+00 : f32
      %div3A_850 = vector.broadcast %div3A_849 : f32 to vector<16xf32>
      %div3A_851 = arith.divf %div3A_850, %add3A_848 : vector<16xf32>
      %sub3A_852 = arith.constant 1.000000e+00 : f32
      %sub3A_853 = vector.broadcast %sub3A_852 : f32 to vector<16xf32>
      %sub3A_854 = arith.subf %sub3A_853, %div3A_851 : vector<16xf32>
      %mul3A_855 = arith.constant 9.900000e+01 : f32
      %mul3A_856 = vector.broadcast %mul3A_855 : f32 to vector<16xf32>
      %mul3A_857 = arith.mulf %sub3A_854, %mul3A_856 : vector<16xf32>
      %convert_element_type3A_858 = arith.fptosi %mul3A_857 : vector<16xf32> to vector<16xi32>
      %convert_element_type3A_859 = arith.sitofp %convert_element_type3A_858 : vector<16xi32> to vector<16xf32>
      %sub3A_860 = arith.subf %mul3A_857, %convert_element_type3A_859 : vector<16xf32>
      %gt3A_861 = arith.constant 5.000000e-01 : f32
      %gt3A_862 = vector.broadcast %gt3A_861 : f32 to vector<16xf32>
      %gt3A_863 = arith.cmpf ogt, %sub3A_860, %gt3A_862 : vector<16xf32>
      %jit3A_864 = arith.constant 1 : i32
      %jit3A_865 = arith.constant 0 : i32
      %broadcast_in_dim3A_866 = vector.broadcast %jit3A_864 : i32 to vector<16xi32>
      %broadcast_in_dim3A_867 = vector.broadcast %jit3A_865 : i32 to vector<16xi32>
      %select_n3A_868 = arith.select %gt3A_863, %broadcast_in_dim3A_866, %broadcast_in_dim3A_867 : vector<16xi1>, vector<16xi32>
      %eq3A_869 = arith.constant 5.000000e-01 : f32
      %eq3A_870 = vector.broadcast %eq3A_869 : f32 to vector<16xf32>
      %eq3A_871 = arith.cmpf oeq, %sub3A_860, %eq3A_870 : vector<16xf32>
      %jit3A_872 = arith.constant 1 : i32
      %jit3A_873 = arith.constant 0 : i32
      %broadcast_in_dim3A_874 = vector.broadcast %jit3A_872 : i32 to vector<16xi32>
      %broadcast_in_dim3A_875 = vector.broadcast %jit3A_873 : i32 to vector<16xi32>
      %select_n3A_876 = arith.select %eq3A_871, %broadcast_in_dim3A_874, %broadcast_in_dim3A_875 : vector<16xi1>, vector<16xi32>
      %and3A_877 = arith.constant 1 : i32
      %and3A_878 = vector.broadcast %and3A_877 : i32 to vector<16xi32>
      %and3A_879 = arith.andi %convert_element_type3A_858, %and3A_878 : vector<16xi32>
      %and3A_880 = arith.andi %select_n3A_876, %and3A_879 : vector<16xi32>
      %or3A_881 = arith.ori %select_n3A_868, %and3A_880 : vector<16xi32>
      %add3A_882 = arith.addi %convert_element_type3A_858, %or3A_881 : vector<16xi32>
      %max3A_883 = arith.constant 0 : i32
      %max3A_884 = vector.broadcast %max3A_883 : i32 to vector<16xi32>
      %max3A_885 = arith.maxsi %add3A_882, %max3A_884 : vector<16xi32>
      %min3A_886 = arith.constant 99 : i32
      %min3A_887 = vector.broadcast %min3A_886 : i32 to vector<16xi32>
      %min3A_888 = arith.minsi %max3A_885, %min3A_887 : vector<16xi32>
      %gt3A_889 = arith.constant 5.000000e-01 : f32
      %gt3A_890 = vector.broadcast %gt3A_889 : f32 to vector<16xf32>
      %gt3A_891 = arith.cmpf ogt, %div3A_851, %gt3A_890 : vector<16xf32>
      %jit3A_892 = arith.constant 1.000000e+00 : f32
      %jit3A_893 = arith.constant 0.000000e+00 : f32
      %broadcast_in_dim3A_894 = vector.broadcast %jit3A_892 : f32 to vector<16xf32>
      %broadcast_in_dim3A_895 = vector.broadcast %jit3A_893 : f32 to vector<16xf32>
      %select_n3A_896 = arith.select %gt3A_891, %broadcast_in_dim3A_894, %broadcast_in_dim3A_895 : vector<16xi1>, vector<16xf32>
      %swap3A_897 = arith.index_cast %select_n3A_97 : i32 to index
      %swap3A_898 = arith.constant 176 : index
      %swap3A_899 = tpu.vector_load %arg7[%swap3A_897, %swap3A_898] {strides = array<i32>} : memref<2x256xi32, #tpu.memory_space<vmem>>, vector<16xi32>,
      tpu.vector_store %arg7[%swap3A_897, %swap3A_898], %min3A_888 {strides = array<i32>} : memref<2x256xi32, #tpu.memory_space<vmem>>, vector<16xi32>,
      %add3A_900 = arith.constant 176 : i32
      %add3A_901 = vector.broadcast %add3A_900 : i32 to vector<16xi32>
      %add3A_902 = arith.addi %iota3A, %add3A_901 : vector<16xi32>
      %scatter3A_903 = arith.constant 0 : i32
      %scatter3A_904 = arith.constant 0 : i32
      %scatter3A_905 = tpu.memref_slice %arg6[%select_n3A_97, %scatter3A_903, %scatter3A_904] : memref<2x256x128xf32, #tpu.memory_space<vmem>> -> memref<1x256x128xf32, #tpu.memory_space<vmem>>
      %scatter3A_906 = tpu.memref_squeeze %scatter3A_905 : memref<1x256x128xf32, #tpu.memory_space<vmem>> -> memref<256x128xf32, #tpu.memory_space<vmem>>
      tpu.vector_store_idx %scatter3A_906[%add3A_902, %min3A_888], %select_n3A_896 : memref<256x128xf32, #tpu.memory_space<vmem>>[vector<16xi32>, vector<16xi32>], vector<16xf32>,
      %get3A_907 = arith.index_cast %scan3A_81 : i32 to index
      %get3A_908 = arith.constant 192 : index
      %get3A_909 = tpu.vector_load %arg5[%get3A_907, %get3A_908] {strides = array<i32>} : memref<64x256xf32, #tpu.memory_space<vmem>>, vector<16xf32>,
      %neg3A_910 = arith.constant 0.000000e+00 : f32
      %neg3A_911 = vector.broadcast %neg3A_910 : f32 to vector<16xf32>
      %neg3A_912 = arith.subf %neg3A_911, %get3A_909 : vector<16xf32>
      %exp3A_913 = math.exp %neg3A_912 : vector<16xf32>
      %add3A_914 = arith.constant 1.000000e+00 : f32
      %add3A_915 = vector.broadcast %add3A_914 : f32 to vector<16xf32>
      %add3A_916 = arith.addf %add3A_915, %exp3A_913 : vector<16xf32>
      %div3A_917 = arith.constant 1.000000e+00 : f32
      %div3A_918 = vector.broadcast %div3A_917 : f32 to vector<16xf32>
      %div3A_919 = arith.divf %div3A_918, %add3A_916 : vector<16xf32>
      %sub3A_920 = arith.constant 1.000000e+00 : f32
      %sub3A_921 = vector.broadcast %sub3A_920 : f32 to vector<16xf32>
      %sub3A_922 = arith.subf %sub3A_921, %div3A_919 : vector<16xf32>
      %mul3A_923 = arith.constant 9.900000e+01 : f32
      %mul3A_924 = vector.broadcast %mul3A_923 : f32 to vector<16xf32>
      %mul3A_925 = arith.mulf %sub3A_922, %mul3A_924 : vector<16xf32>
      %convert_element_type3A_926 = arith.fptosi %mul3A_925 : vector<16xf32> to vector<16xi32>
      %convert_element_type3A_927 = arith.sitofp %convert_element_type3A_926 : vector<16xi32> to vector<16xf32>
      %sub3A_928 = arith.subf %mul3A_925, %convert_element_type3A_927 : vector<16xf32>
      %gt3A_929 = arith.constant 5.000000e-01 : f32
      %gt3A_930 = vector.broadcast %gt3A_929 : f32 to vector<16xf32>
      %gt3A_931 = arith.cmpf ogt, %sub3A_928, %gt3A_930 : vector<16xf32>
      %jit3A_932 = arith.constant 1 : i32
      %jit3A_933 = arith.constant 0 : i32
      %broadcast_in_dim3A_934 = vector.broadcast %jit3A_932 : i32 to vector<16xi32>
      %broadcast_in_dim3A_935 = vector.broadcast %jit3A_933 : i32 to vector<16xi32>
      %select_n3A_936 = arith.select %gt3A_931, %broadcast_in_dim3A_934, %broadcast_in_dim3A_935 : vector<16xi1>, vector<16xi32>
      %eq3A_937 = arith.constant 5.000000e-01 : f32
      %eq3A_938 = vector.broadcast %eq3A_937 : f32 to vector<16xf32>
      %eq3A_939 = arith.cmpf oeq, %sub3A_928, %eq3A_938 : vector<16xf32>
      %jit3A_940 = arith.constant 1 : i32
      %jit3A_941 = arith.constant 0 : i32
      %broadcast_in_dim3A_942 = vector.broadcast %jit3A_940 : i32 to vector<16xi32>
      %broadcast_in_dim3A_943 = vector.broadcast %jit3A_941 : i32 to vector<16xi32>
      %select_n3A_944 = arith.select %eq3A_939, %broadcast_in_dim3A_942, %broadcast_in_dim3A_943 : vector<16xi1>, vector<16xi32>
      %and3A_945 = arith.constant 1 : i32
      %and3A_946 = vector.broadcast %and3A_945 : i32 to vector<16xi32>
      %and3A_947 = arith.andi %convert_element_type3A_926, %and3A_946 : vector<16xi32>
      %and3A_948 = arith.andi %select_n3A_944, %and3A_947 : vector<16xi32>
      %or3A_949 = arith.ori %select_n3A_936, %and3A_948 : vector<16xi32>
      %add3A_950 = arith.addi %convert_element_type3A_926, %or3A_949 : vector<16xi32>
      %max3A_951 = arith.constant 0 : i32
      %max3A_952 = vector.broadcast %max3A_951 : i32 to vector<16xi32>
      %max3A_953 = arith.maxsi %add3A_950, %max3A_952 : vector<16xi32>
      %min3A_954 = arith.constant 99 : i32
      %min3A_955 = vector.broadcast %min3A_954 : i32 to vector<16xi32>
      %min3A_956 = arith.minsi %max3A_953, %min3A_955 : vector<16xi32>
      %gt3A_957 = arith.constant 5.000000e-01 : f32
      %gt3A_958 = vector.broadcast %gt3A_957 : f32 to vector<16xf32>
      %gt3A_959 = arith.cmpf ogt, %div3A_919, %gt3A_958 : vector<16xf32>
      %jit3A_960 = arith.constant 1.000000e+00 : f32
      %jit3A_961 = arith.constant 0.000000e+00 : f32
      %broadcast_in_dim3A_962 = vector.broadcast %jit3A_960 : f32 to vector<16xf32>
      %broadcast_in_dim3A_963 = vector.broadcast %jit3A_961 : f32 to vector<16xf32>
      %select_n3A_964 = arith.select %gt3A_959, %broadcast_in_dim3A_962, %broadcast_in_dim3A_963 : vector<16xi1>, vector<16xf32>
      %swap3A_965 = arith.index_cast %select_n3A_97 : i32 to index
      %swap3A_966 = arith.constant 192 : index
      %swap3A_967 = tpu.vector_load %arg7[%swap3A_965, %swap3A_966] {strides = array<i32>} : memref<2x256xi32, #tpu.memory_space<vmem>>, vector<16xi32>,
      tpu.vector_store %arg7[%swap3A_965, %swap3A_966], %min3A_956 {strides = array<i32>} : memref<2x256xi32, #tpu.memory_space<vmem>>, vector<16xi32>,
      %add3A_968 = arith.constant 192 : i32
      %add3A_969 = vector.broadcast %add3A_968 : i32 to vector<16xi32>
      %add3A_970 = arith.addi %iota3A, %add3A_969 : vector<16xi32>
      %scatter3A_971 = arith.constant 0 : i32
      %scatter3A_972 = arith.constant 0 : i32
      %scatter3A_973 = tpu.memref_slice %arg6[%select_n3A_97, %scatter3A_971, %scatter3A_972] : memref<2x256x128xf32, #tpu.memory_space<vmem>> -> memref<1x256x128xf32, #tpu.memory_space<vmem>>
      %scatter3A_974 = tpu.memref_squeeze %scatter3A_973 : memref<1x256x128xf32, #tpu.memory_space<vmem>> -> memref<256x128xf32, #tpu.memory_space<vmem>>
      tpu.vector_store_idx %scatter3A_974[%add3A_970, %min3A_956], %select_n3A_964 : memref<256x128xf32, #tpu.memory_space<vmem>>[vector<16xi32>, vector<16xi32>], vector<16xf32>,
      %get3A_975 = arith.index_cast %scan3A_81 : i32 to index
      %get3A_976 = arith.constant 208 : index
      %get3A_977 = tpu.vector_load %arg5[%get3A_975, %get3A_976] {strides = array<i32>} : memref<64x256xf32, #tpu.memory_space<vmem>>, vector<16xf32>,
      %neg3A_978 = arith.constant 0.000000e+00 : f32
      %neg3A_979 = vector.broadcast %neg3A_978 : f32 to vector<16xf32>
      %neg3A_980 = arith.subf %neg3A_979, %get3A_977 : vector<16xf32>
      %exp3A_981 = math.exp %neg3A_980 : vector<16xf32>
      %add3A_982 = arith.constant 1.000000e+00 : f32
      %add3A_983 = vector.broadcast %add3A_982 : f32 to vector<16xf32>
      %add3A_984 = arith.addf %add3A_983, %exp3A_981 : vector<16xf32>
      %div3A_985 = arith.constant 1.000000e+00 : f32
      %div3A_986 = vector.broadcast %div3A_985 : f32 to vector<16xf32>
      %div3A_987 = arith.divf %div3A_986, %add3A_984 : vector<16xf32>
      %sub3A_988 = arith.constant 1.000000e+00 : f32
      %sub3A_989 = vector.broadcast %sub3A_988 : f32 to vector<16xf32>
      %sub3A_990 = arith.subf %sub3A_989, %div3A_987 : vector<16xf32>
      %mul3A_991 = arith.constant 9.900000e+01 : f32
      %mul3A_992 = vector.broadcast %mul3A_991 : f32 to vector<16xf32>
      %mul3A_993 = arith.mulf %sub3A_990, %mul3A_992 : vector<16xf32>
      %convert_element_type3A_994 = arith.fptosi %mul3A_993 : vector<16xf32> to vector<16xi32>
      %convert_element_type3A_995 = arith.sitofp %convert_element_type3A_994 : vector<16xi32> to vector<16xf32>
      %sub3A_996 = arith.subf %mul3A_993, %convert_element_type3A_995 : vector<16xf32>
      %gt3A_997 = arith.constant 5.000000e-01 : f32
      %gt3A_998 = vector.broadcast %gt3A_997 : f32 to vector<16xf32>
      %gt3A_999 = arith.cmpf ogt, %sub3A_996, %gt3A_998 : vector<16xf32>
      %jit3A_1000 = arith.constant 1 : i32
      %jit3A_1001 = arith.constant 0 : i32
      %broadcast_in_dim3A_1002 = vector.broadcast %jit3A_1000 : i32 to vector<16xi32>
      %broadcast_in_dim3A_1003 = vector.broadcast %jit3A_1001 : i32 to vector<16xi32>
      %select_n3A_1004 = arith.select %gt3A_999, %broadcast_in_dim3A_1002, %broadcast_in_dim3A_1003 : vector<16xi1>, vector<16xi32>
      %eq3A_1005 = arith.constant 5.000000e-01 : f32
      %eq3A_1006 = vector.broadcast %eq3A_1005 : f32 to vector<16xf32>
      %eq3A_1007 = arith.cmpf oeq, %sub3A_996, %eq3A_1006 : vector<16xf32>
      %jit3A_1008 = arith.constant 1 : i32
      %jit3A_1009 = arith.constant 0 : i32
      %broadcast_in_dim3A_1010 = vector.broadcast %jit3A_1008 : i32 to vector<16xi32>
      %broadcast_in_dim3A_1011 = vector.broadcast %jit3A_1009 : i32 to vector<16xi32>
      %select_n3A_1012 = arith.select %eq3A_1007, %broadcast_in_dim3A_1010, %broadcast_in_dim3A_1011 : vector<16xi1>, vector<16xi32>
      %and3A_1013 = arith.constant 1 : i32
      %and3A_1014 = vector.broadcast %and3A_1013 : i32 to vector<16xi32>
      %and3A_1015 = arith.andi %convert_element_type3A_994, %and3A_1014 : vector<16xi32>
      %and3A_1016 = arith.andi %select_n3A_1012, %and3A_1015 : vector<16xi32>
      %or3A_1017 = arith.ori %select_n3A_1004, %and3A_1016 : vector<16xi32>
      %add3A_1018 = arith.addi %convert_element_type3A_994, %or3A_1017 : vector<16xi32>
      %max3A_1019 = arith.constant 0 : i32
      %max3A_1020 = vector.broadcast %max3A_1019 : i32 to vector<16xi32>
      %max3A_1021 = arith.maxsi %add3A_1018, %max3A_1020 : vector<16xi32>
      %min3A_1022 = arith.constant 99 : i32
      %min3A_1023 = vector.broadcast %min3A_1022 : i32 to vector<16xi32>
      %min3A_1024 = arith.minsi %max3A_1021, %min3A_1023 : vector<16xi32>
      %gt3A_1025 = arith.constant 5.000000e-01 : f32
      %gt3A_1026 = vector.broadcast %gt3A_1025 : f32 to vector<16xf32>
      %gt3A_1027 = arith.cmpf ogt, %div3A_987, %gt3A_1026 : vector<16xf32>
      %jit3A_1028 = arith.constant 1.000000e+00 : f32
      %jit3A_1029 = arith.constant 0.000000e+00 : f32
      %broadcast_in_dim3A_1030 = vector.broadcast %jit3A_1028 : f32 to vector<16xf32>
      %broadcast_in_dim3A_1031 = vector.broadcast %jit3A_1029 : f32 to vector<16xf32>
      %select_n3A_1032 = arith.select %gt3A_1027, %broadcast_in_dim3A_1030, %broadcast_in_dim3A_1031 : vector<16xi1>, vector<16xf32>
      %swap3A_1033 = arith.index_cast %select_n3A_97 : i32 to index
      %swap3A_1034 = arith.constant 208 : index
      %swap3A_1035 = tpu.vector_load %arg7[%swap3A_1033, %swap3A_1034] {strides = array<i32>} : memref<2x256xi32, #tpu.memory_space<vmem>>, vector<16xi32>,
      tpu.vector_store %arg7[%swap3A_1033, %swap3A_1034], %min3A_1024 {strides = array<i32>} : memref<2x256xi32, #tpu.memory_space<vmem>>, vector<16xi32>,
      %add3A_1036 = arith.constant 208 : i32
      %add3A_1037 = vector.broadcast %add3A_1036 : i32 to vector<16xi32>
      %add3A_1038 = arith.addi %iota3A, %add3A_1037 : vector<16xi32>
      %scatter3A_1039 = arith.constant 0 : i32
      %scatter3A_1040 = arith.constant 0 : i32
      %scatter3A_1041 = tpu.memref_slice %arg6[%select_n3A_97, %scatter3A_1039, %scatter3A_1040] : memref<2x256x128xf32, #tpu.memory_space<vmem>> -> memref<1x256x128xf32, #tpu.memory_space<vmem>>
      %scatter3A_1042 = tpu.memref_squeeze %scatter3A_1041 : memref<1x256x128xf32, #tpu.memory_space<vmem>> -> memref<256x128xf32, #tpu.memory_space<vmem>>
      tpu.vector_store_idx %scatter3A_1042[%add3A_1038, %min3A_1024], %select_n3A_1032 : memref<256x128xf32, #tpu.memory_space<vmem>>[vector<16xi32>, vector<16xi32>], vector<16xf32>,
      %get3A_1043 = arith.index_cast %scan3A_81 : i32 to index
      %get3A_1044 = arith.constant 224 : index
      %get3A_1045 = tpu.vector_load %arg5[%get3A_1043, %get3A_1044] {strides = array<i32>} : memref<64x256xf32, #tpu.memory_space<vmem>>, vector<16xf32>,
      %neg3A_1046 = arith.constant 0.000000e+00 : f32
      %neg3A_1047 = vector.broadcast %neg3A_1046 : f32 to vector<16xf32>
      %neg3A_1048 = arith.subf %neg3A_1047, %get3A_1045 : vector<16xf32>
      %exp3A_1049 = math.exp %neg3A_1048 : vector<16xf32>
      %add3A_1050 = arith.constant 1.000000e+00 : f32
      %add3A_1051 = vector.broadcast %add3A_1050 : f32 to vector<16xf32>
      %add3A_1052 = arith.addf %add3A_1051, %exp3A_1049 : vector<16xf32>
      %div3A_1053 = arith.constant 1.000000e+00 : f32
      %div3A_1054 = vector.broadcast %div3A_1053 : f32 to vector<16xf32>
      %div3A_1055 = arith.divf %div3A_1054, %add3A_1052 : vector<16xf32>
      %sub3A_1056 = arith.constant 1.000000e+00 : f32
      %sub3A_1057 = vector.broadcast %sub3A_1056 : f32 to vector<16xf32>
      %sub3A_1058 = arith.subf %sub3A_1057, %div3A_1055 : vector<16xf32>
      %mul3A_1059 = arith.constant 9.900000e+01 : f32
      %mul3A_1060 = vector.broadcast %mul3A_1059 : f32 to vector<16xf32>
      %mul3A_1061 = arith.mulf %sub3A_1058, %mul3A_1060 : vector<16xf32>
      %convert_element_type3A_1062 = arith.fptosi %mul3A_1061 : vector<16xf32> to vector<16xi32>
      %convert_element_type3A_1063 = arith.sitofp %convert_element_type3A_1062 : vector<16xi32> to vector<16xf32>
      %sub3A_1064 = arith.subf %mul3A_1061, %convert_element_type3A_1063 : vector<16xf32>
      %gt3A_1065 = arith.constant 5.000000e-01 : f32
      %gt3A_1066 = vector.broadcast %gt3A_1065 : f32 to vector<16xf32>
      %gt3A_1067 = arith.cmpf ogt, %sub3A_1064, %gt3A_1066 : vector<16xf32>
      %jit3A_1068 = arith.constant 1 : i32
      %jit3A_1069 = arith.constant 0 : i32
      %broadcast_in_dim3A_1070 = vector.broadcast %jit3A_1068 : i32 to vector<16xi32>
      %broadcast_in_dim3A_1071 = vector.broadcast %jit3A_1069 : i32 to vector<16xi32>
      %select_n3A_1072 = arith.select %gt3A_1067, %broadcast_in_dim3A_1070, %broadcast_in_dim3A_1071 : vector<16xi1>, vector<16xi32>
      %eq3A_1073 = arith.constant 5.000000e-01 : f32
      %eq3A_1074 = vector.broadcast %eq3A_1073 : f32 to vector<16xf32>
      %eq3A_1075 = arith.cmpf oeq, %sub3A_1064, %eq3A_1074 : vector<16xf32>
      %jit3A_1076 = arith.constant 1 : i32
      %jit3A_1077 = arith.constant 0 : i32
      %broadcast_in_dim3A_1078 = vector.broadcast %jit3A_1076 : i32 to vector<16xi32>
      %broadcast_in_dim3A_1079 = vector.broadcast %jit3A_1077 : i32 to vector<16xi32>
      %select_n3A_1080 = arith.select %eq3A_1075, %broadcast_in_dim3A_1078, %broadcast_in_dim3A_1079 : vector<16xi1>, vector<16xi32>
      %and3A_1081 = arith.constant 1 : i32
      %and3A_1082 = vector.broadcast %and3A_1081 : i32 to vector<16xi32>
      %and3A_1083 = arith.andi %convert_element_type3A_1062, %and3A_1082 : vector<16xi32>
      %and3A_1084 = arith.andi %select_n3A_1080, %and3A_1083 : vector<16xi32>
      %or3A_1085 = arith.ori %select_n3A_1072, %and3A_1084 : vector<16xi32>
      %add3A_1086 = arith.addi %convert_element_type3A_1062, %or3A_1085 : vector<16xi32>
      %max3A_1087 = arith.constant 0 : i32
      %max3A_1088 = vector.broadcast %max3A_1087 : i32 to vector<16xi32>
      %max3A_1089 = arith.maxsi %add3A_1086, %max3A_1088 : vector<16xi32>
      %min3A_1090 = arith.constant 99 : i32
      %min3A_1091 = vector.broadcast %min3A_1090 : i32 to vector<16xi32>
      %min3A_1092 = arith.minsi %max3A_1089, %min3A_1091 : vector<16xi32>
      %gt3A_1093 = arith.constant 5.000000e-01 : f32
      %gt3A_1094 = vector.broadcast %gt3A_1093 : f32 to vector<16xf32>
      %gt3A_1095 = arith.cmpf ogt, %div3A_1055, %gt3A_1094 : vector<16xf32>
      %jit3A_1096 = arith.constant 1.000000e+00 : f32
      %jit3A_1097 = arith.constant 0.000000e+00 : f32
      %broadcast_in_dim3A_1098 = vector.broadcast %jit3A_1096 : f32 to vector<16xf32>
      %broadcast_in_dim3A_1099 = vector.broadcast %jit3A_1097 : f32 to vector<16xf32>
      %select_n3A_1100 = arith.select %gt3A_1095, %broadcast_in_dim3A_1098, %broadcast_in_dim3A_1099 : vector<16xi1>, vector<16xf32>
      %swap3A_1101 = arith.index_cast %select_n3A_97 : i32 to index
      %swap3A_1102 = arith.constant 224 : index
      %swap3A_1103 = tpu.vector_load %arg7[%swap3A_1101, %swap3A_1102] {strides = array<i32>} : memref<2x256xi32, #tpu.memory_space<vmem>>, vector<16xi32>,
      tpu.vector_store %arg7[%swap3A_1101, %swap3A_1102], %min3A_1092 {strides = array<i32>} : memref<2x256xi32, #tpu.memory_space<vmem>>, vector<16xi32>,
      %add3A_1104 = arith.constant 224 : i32
      %add3A_1105 = vector.broadcast %add3A_1104 : i32 to vector<16xi32>
      %add3A_1106 = arith.addi %iota3A, %add3A_1105 : vector<16xi32>
      %scatter3A_1107 = arith.constant 0 : i32
      %scatter3A_1108 = arith.constant 0 : i32
      %scatter3A_1109 = tpu.memref_slice %arg6[%select_n3A_97, %scatter3A_1107, %scatter3A_1108] : memref<2x256x128xf32, #tpu.memory_space<vmem>> -> memref<1x256x128xf32, #tpu.memory_space<vmem>>
      %scatter3A_1110 = tpu.memref_squeeze %scatter3A_1109 : memref<1x256x128xf32, #tpu.memory_space<vmem>> -> memref<256x128xf32, #tpu.memory_space<vmem>>
      tpu.vector_store_idx %scatter3A_1110[%add3A_1106, %min3A_1092], %select_n3A_1100 : memref<256x128xf32, #tpu.memory_space<vmem>>[vector<16xi32>, vector<16xi32>], vector<16xf32>,
      %get3A_1111 = arith.index_cast %scan3A_81 : i32 to index
      %get3A_1112 = arith.constant 240 : index
      %get3A_1113 = tpu.vector_load %arg5[%get3A_1111, %get3A_1112] {strides = array<i32>} : memref<64x256xf32, #tpu.memory_space<vmem>>, vector<16xf32>,
      %neg3A_1114 = arith.constant 0.000000e+00 : f32
      %neg3A_1115 = vector.broadcast %neg3A_1114 : f32 to vector<16xf32>
      %neg3A_1116 = arith.subf %neg3A_1115, %get3A_1113 : vector<16xf32>
      %exp3A_1117 = math.exp %neg3A_1116 : vector<16xf32>
      %add3A_1118 = arith.constant 1.000000e+00 : f32
      %add3A_1119 = vector.broadcast %add3A_1118 : f32 to vector<16xf32>
      %add3A_1120 = arith.addf %add3A_1119, %exp3A_1117 : vector<16xf32>
      %div3A_1121 = arith.constant 1.000000e+00 : f32
      %div3A_1122 = vector.broadcast %div3A_1121 : f32 to vector<16xf32>
      %div3A_1123 = arith.divf %div3A_1122, %add3A_1120 : vector<16xf32>
      %sub3A_1124 = arith.constant 1.000000e+00 : f32
      %sub3A_1125 = vector.broadcast %sub3A_1124 : f32 to vector<16xf32>
      %sub3A_1126 = arith.subf %sub3A_1125, %div3A_1123 : vector<16xf32>
      %mul3A_1127 = arith.constant 9.900000e+01 : f32
      %mul3A_1128 = vector.broadcast %mul3A_1127 : f32 to vector<16xf32>
      %mul3A_1129 = arith.mulf %sub3A_1126, %mul3A_1128 : vector<16xf32>
      %convert_element_type3A_1130 = arith.fptosi %mul3A_1129 : vector<16xf32> to vector<16xi32>
      %convert_element_type3A_1131 = arith.sitofp %convert_element_type3A_1130 : vector<16xi32> to vector<16xf32>
      %sub3A_1132 = arith.subf %mul3A_1129, %convert_element_type3A_1131 : vector<16xf32>
      %gt3A_1133 = arith.constant 5.000000e-01 : f32
      %gt3A_1134 = vector.broadcast %gt3A_1133 : f32 to vector<16xf32>
      %gt3A_1135 = arith.cmpf ogt, %sub3A_1132, %gt3A_1134 : vector<16xf32>
      %jit3A_1136 = arith.constant 1 : i32
      %jit3A_1137 = arith.constant 0 : i32
      %broadcast_in_dim3A_1138 = vector.broadcast %jit3A_1136 : i32 to vector<16xi32>
      %broadcast_in_dim3A_1139 = vector.broadcast %jit3A_1137 : i32 to vector<16xi32>
      %select_n3A_1140 = arith.select %gt3A_1135, %broadcast_in_dim3A_1138, %broadcast_in_dim3A_1139 : vector<16xi1>, vector<16xi32>
      %eq3A_1141 = arith.constant 5.000000e-01 : f32
      %eq3A_1142 = vector.broadcast %eq3A_1141 : f32 to vector<16xf32>
      %eq3A_1143 = arith.cmpf oeq, %sub3A_1132, %eq3A_1142 : vector<16xf32>
      %jit3A_1144 = arith.constant 1 : i32
      %jit3A_1145 = arith.constant 0 : i32
      %broadcast_in_dim3A_1146 = vector.broadcast %jit3A_1144 : i32 to vector<16xi32>
      %broadcast_in_dim3A_1147 = vector.broadcast %jit3A_1145 : i32 to vector<16xi32>
      %select_n3A_1148 = arith.select %eq3A_1143, %broadcast_in_dim3A_1146, %broadcast_in_dim3A_1147 : vector<16xi1>, vector<16xi32>
      %and3A_1149 = arith.constant 1 : i32
      %and3A_1150 = vector.broadcast %and3A_1149 : i32 to vector<16xi32>
      %and3A_1151 = arith.andi %convert_element_type3A_1130, %and3A_1150 : vector<16xi32>
      %and3A_1152 = arith.andi %select_n3A_1148, %and3A_1151 : vector<16xi32>
      %or3A_1153 = arith.ori %select_n3A_1140, %and3A_1152 : vector<16xi32>
      %add3A_1154 = arith.addi %convert_element_type3A_1130, %or3A_1153 : vector<16xi32>
      %max3A_1155 = arith.constant 0 : i32
      %max3A_1156 = vector.broadcast %max3A_1155 : i32 to vector<16xi32>
      %max3A_1157 = arith.maxsi %add3A_1154, %max3A_1156 : vector<16xi32>
      %min3A_1158 = arith.constant 99 : i32
      %min3A_1159 = vector.broadcast %min3A_1158 : i32 to vector<16xi32>
      %min3A_1160 = arith.minsi %max3A_1157, %min3A_1159 : vector<16xi32>
      %gt3A_1161 = arith.constant 5.000000e-01 : f32
      %gt3A_1162 = vector.broadcast %gt3A_1161 : f32 to vector<16xf32>
      %gt3A_1163 = arith.cmpf ogt, %div3A_1123, %gt3A_1162 : vector<16xf32>
      %jit3A_1164 = arith.constant 1.000000e+00 : f32
      %jit3A_1165 = arith.constant 0.000000e+00 : f32
      %broadcast_in_dim3A_1166 = vector.broadcast %jit3A_1164 : f32 to vector<16xf32>
      %broadcast_in_dim3A_1167 = vector.broadcast %jit3A_1165 : f32 to vector<16xf32>
      %select_n3A_1168 = arith.select %gt3A_1163, %broadcast_in_dim3A_1166, %broadcast_in_dim3A_1167 : vector<16xi1>, vector<16xf32>
      %swap3A_1169 = arith.index_cast %select_n3A_97 : i32 to index
      %swap3A_1170 = arith.constant 240 : index
      %swap3A_1171 = tpu.vector_load %arg7[%swap3A_1169, %swap3A_1170] {strides = array<i32>} : memref<2x256xi32, #tpu.memory_space<vmem>>, vector<16xi32>,
      tpu.vector_store %arg7[%swap3A_1169, %swap3A_1170], %min3A_1160 {strides = array<i32>} : memref<2x256xi32, #tpu.memory_space<vmem>>, vector<16xi32>,
      %add3A_1172 = arith.constant 240 : i32
      %add3A_1173 = vector.broadcast %add3A_1172 : i32 to vector<16xi32>
      %add3A_1174 = arith.addi %iota3A, %add3A_1173 : vector<16xi32>
      %scatter3A_1175 = arith.constant 0 : i32
      %scatter3A_1176 = arith.constant 0 : i32
      %scatter3A_1177 = tpu.memref_slice %arg6[%select_n3A_97, %scatter3A_1175, %scatter3A_1176] : memref<2x256x128xf32, #tpu.memory_space<vmem>> -> memref<1x256x128xf32, #tpu.memory_space<vmem>>
      %scatter3A_1178 = tpu.memref_squeeze %scatter3A_1177 : memref<1x256x128xf32, #tpu.memory_space<vmem>> -> memref<256x128xf32, #tpu.memory_space<vmem>>
      tpu.vector_store_idx %scatter3A_1178[%add3A_1174, %min3A_1160], %select_n3A_1168 : memref<256x128xf32, #tpu.memory_space<vmem>>[vector<16xi32>, vector<16xi32>], vector<16xf32>,
      %add3A_1179 = arith.addi %mul3A_18, %scan3A_81 : i32
      %dma_start3A = arith.constant 0 : i32
      %dma_start3A_1180 = arith.constant 0 : i32
      %dma_start3A_1181 = tpu.memref_slice %arg6[%select_n3A_97, %dma_start3A, %dma_start3A_1180] : memref<2x256x128xf32, #tpu.memory_space<vmem>> -> memref<1x256x128xf32, #tpu.memory_space<vmem>>
      %dma_start3A_1182 = tpu.memref_squeeze %dma_start3A_1181 : memref<1x256x128xf32, #tpu.memory_space<vmem>> -> memref<256x128xf32, #tpu.memory_space<vmem>>
      %dma_start3A_1183 = arith.constant 0 : i32
      %dma_start3A_1184 = tpu.memref_slice %arg4[%add3A_1179, %mul3A_34, %dma_start3A_1183] : memref<1024x512x128xf32, #tpu.memory_space<hbm>> -> memref<1x256x128xf32, #tpu.memory_space<hbm>>
      %dma_start3A_1185 = tpu.memref_squeeze %dma_start3A_1184 : memref<1x256x128xf32, #tpu.memory_space<hbm>> -> memref<256x128xf32, #tpu.memory_space<hbm>>
      %dma_start3A_1186 = tpu.memref_slice %arg8[%select_n3A_97] : memref<2x!tpu.dma_semaphore, #tpu.memory_space<semaphore_mem>> -> memref<1x!tpu.dma_semaphore, #tpu.memory_space<semaphore_mem>>
      %dma_start3A_1187 = tpu.memref_squeeze %dma_start3A_1186 : memref<1x!tpu.dma_semaphore, #tpu.memory_space<semaphore_mem>> -> memref<!tpu.dma_semaphore, #tpu.memory_space<semaphore_mem>>
      %dma_start3A_1188 = arith.constant 0 : i32
      %dma_start3A_1189 = tpu.memref_slice %arg4[%add3A_1179, %mul3A_34, %dma_start3A_1188] : memref<1024x512x128xf32, #tpu.memory_space<hbm>> -> memref<1x256x128xf32, #tpu.memory_space<hbm>>
      %dma_start3A_1190 = tpu.memref_squeeze %dma_start3A_1189 : memref<1x256x128xf32, #tpu.memory_space<hbm>> -> memref<256x128xf32, #tpu.memory_space<hbm>>
      %dma_start3A_1191 = arith.constant 0 : i32
      %dma_start3A_1192 = arith.constant 0 : i32
      %dma_start3A_1193 = tpu.memref_slice %arg6[%select_n3A_97, %dma_start3A_1191, %dma_start3A_1192] : memref<2x256x128xf32, #tpu.memory_space<vmem>> -> memref<1x256x128xf32, #tpu.memory_space<vmem>>
      %dma_start3A_1194 = tpu.memref_squeeze %dma_start3A_1193 : memref<1x256x128xf32, #tpu.memory_space<vmem>> -> memref<256x128xf32, #tpu.memory_space<vmem>>
      tpu.enqueue_dma source(%dma_start3A_1194 : memref<256x128xf32, #tpu.memory_space<vmem>>) target(%dma_start3A_1190 : memref<256x128xf32, #tpu.memory_space<hbm>>) target_semaphore(%dma_start3A_1187 : memref<!tpu.dma_semaphore, #tpu.memory_space<semaphore_mem>>)
    }
    %scan3A_41 = arith.constant 64 : i32
    %add3A_42 = arith.constant 62 : i32
    %add3A_43 = arith.addi %mul3A_18, %add3A_42 : i32
    %dma_wait3A = arith.constant 0 : i32
    %dma_wait3A_44 = arith.constant 0 : i32
    %dma_wait3A_45 = arith.constant 0 : i32
    %dma_wait3A_46 = arith.constant 0 : i32
    %dma_wait3A_47 = tpu.memref_slice %arg6[%dma_wait3A, %dma_wait3A_45, %dma_wait3A_46] : memref<2x256x128xf32, #tpu.memory_space<vmem>> -> memref<1x256x128xf32, #tpu.memory_space<vmem>>
    %dma_wait3A_48 = tpu.memref_squeeze %dma_wait3A_47 : memref<1x256x128xf32, #tpu.memory_space<vmem>> -> memref<256x128xf32, #tpu.memory_space<vmem>>
    %dma_wait3A_49 = arith.constant 0 : i32
    %dma_wait3A_50 = tpu.memref_slice %arg4[%add3A_43, %mul3A_34, %dma_wait3A_49] : memref<1024x512x128xf32, #tpu.memory_space<hbm>> -> memref<1x256x128xf32, #tpu.memory_space<hbm>>
    %dma_wait3A_51 = tpu.memref_squeeze %dma_wait3A_50 : memref<1x256x128xf32, #tpu.memory_space<hbm>> -> memref<256x128xf32, #tpu.memory_space<hbm>>
    %dma_wait3A_52 = tpu.memref_slice %arg8[%dma_wait3A_44] : memref<2x!tpu.dma_semaphore, #tpu.memory_space<semaphore_mem>> -> memref<1x!tpu.dma_semaphore, #tpu.memory_space<semaphore_mem>>
    %dma_wait3A_53 = tpu.memref_squeeze %dma_wait3A_52 : memref<1x!tpu.dma_semaphore, #tpu.memory_space<semaphore_mem>> -> memref<!tpu.dma_semaphore, #tpu.memory_space<semaphore_mem>>
    %dma_wait3A_54 = arith.constant 0 : i32
    %dma_wait3A_55 = tpu.memref_slice %arg4[%add3A_43, %mul3A_34, %dma_wait3A_54] : memref<1024x512x128xf32, #tpu.memory_space<hbm>> -> memref<1x256x128xf32, #tpu.memory_space<hbm>>
    %dma_wait3A_56 = tpu.memref_squeeze %dma_wait3A_55 : memref<1x256x128xf32, #tpu.memory_space<hbm>> -> memref<256x128xf32, #tpu.memory_space<hbm>>
    %dma_wait3A_57 = arith.constant 0 : i32
    %dma_wait3A_58 = arith.constant 0 : i32
    %dma_wait3A_59 = tpu.memref_slice %arg6[%dma_wait3A, %dma_wait3A_57, %dma_wait3A_58] : memref<2x256x128xf32, #tpu.memory_space<vmem>> -> memref<1x256x128xf32, #tpu.memory_space<vmem>>
    %dma_wait3A_60 = tpu.memref_squeeze %dma_wait3A_59 : memref<1x256x128xf32, #tpu.memory_space<vmem>> -> memref<256x128xf32, #tpu.memory_space<vmem>>
    tpu.wait_dma2 semaphore(%dma_wait3A_53 : memref<!tpu.dma_semaphore, #tpu.memory_space<semaphore_mem>>) src(%dma_wait3A_60 : memref<256x128xf32, #tpu.memory_space<vmem>>) dst(%dma_wait3A_56 : memref<256x128xf32, #tpu.memory_space<hbm>>)
    %add3A_61 = arith.constant 63 : i32
    %add3A_62 = arith.addi %mul3A_18, %add3A_61 : i32
    %dma_wait3A_63 = arith.constant 1 : i32
    %dma_wait3A_64 = arith.constant 1 : i32
    %dma_wait3A_65 = arith.constant 0 : i32
    %dma_wait3A_66 = arith.constant 0 : i32
    %dma_wait3A_67 = tpu.memref_slice %arg6[%dma_wait3A_63, %dma_wait3A_65, %dma_wait3A_66] : memref<2x256x128xf32, #tpu.memory_space<vmem>> -> memref<1x256x128xf32, #tpu.memory_space<vmem>>
    %dma_wait3A_68 = tpu.memref_squeeze %dma_wait3A_67 : memref<1x256x128xf32, #tpu.memory_space<vmem>> -> memref<256x128xf32, #tpu.memory_space<vmem>>
    %dma_wait3A_69 = arith.constant 0 : i32
    %dma_wait3A_70 = tpu.memref_slice %arg4[%add3A_62, %mul3A_34, %dma_wait3A_69] : memref<1024x512x128xf32, #tpu.memory_space<hbm>> -> memref<1x256x128xf32, #tpu.memory_space<hbm>>
    %dma_wait3A_71 = tpu.memref_squeeze %dma_wait3A_70 : memref<1x256x128xf32, #tpu.memory_space<hbm>> -> memref<256x128xf32, #tpu.memory_space<hbm>>
    %dma_wait3A_72 = tpu.memref_slice %arg8[%dma_wait3A_64] : memref<2x!tpu.dma_semaphore, #tpu.memory_space<semaphore_mem>> -> memref<1x!tpu.dma_semaphore, #tpu.memory_space<semaphore_mem>>
    %dma_wait3A_73 = tpu.memref_squeeze %dma_wait3A_72 : memref<1x!tpu.dma_semaphore, #tpu.memory_space<semaphore_mem>> -> memref<!tpu.dma_semaphore, #tpu.memory_space<semaphore_mem>>
    %dma_wait3A_74 = arith.constant 0 : i32
    %dma_wait3A_75 = tpu.memref_slice %arg4[%add3A_62, %mul3A_34, %dma_wait3A_74] : memref<1024x512x128xf32, #tpu.memory_space<hbm>> -> memref<1x256x128xf32, #tpu.memory_space<hbm>>
    %dma_wait3A_76 = tpu.memref_squeeze %dma_wait3A_75 : memref<1x256x128xf32, #tpu.memory_space<hbm>> -> memref<256x128xf32, #tpu.memory_space<hbm>>
    %dma_wait3A_77 = arith.constant 0 : i32
    %dma_wait3A_78 = arith.constant 0 : i32
    %dma_wait3A_79 = tpu.memref_slice %arg6[%dma_wait3A_63, %dma_wait3A_77, %dma_wait3A_78] : memref<2x256x128xf32, #tpu.memory_space<vmem>> -> memref<1x256x128xf32, #tpu.memory_space<vmem>>
    %dma_wait3A_80 = tpu.memref_squeeze %dma_wait3A_79 : memref<1x256x128xf32, #tpu.memory_space<vmem>> -> memref<256x128xf32, #tpu.memory_space<vmem>>
    tpu.wait_dma2 semaphore(%dma_wait3A_73 : memref<!tpu.dma_semaphore, #tpu.memory_space<semaphore_mem>>) src(%dma_wait3A_80 : memref<256x128xf32, #tpu.memory_space<vmem>>) dst(%dma_wait3A_76 : memref<256x128xf32, #tpu.memory_space<hbm>>)
    return
  }
}

</mosaic_0001>

<sc_bundles>
// kernel: kernel.3.cloned.1.call-start
scs
__scs_entry_jumppad:
0x0: {  	(pc) =	sbr.rel $0x88, $3  }
0x1: {  	(tag) =	ssettag $0x0;
	lr =	simm.s32 $0x1  }
0x2: {  	[smem:$0x3FA0] =	sst lr;
	_ =	strace $0xD0000000  }
0x3: {  	_ = 	snop  }
0x4: {  	_ = 	snop  }
0x5: {  	_ = 	snop  }
0x6: {  	_ = 	snop  }
0x7: {  	_ = 	snop  }
__scs_overlays_trampoline_lowered:
0x8: {  	[smem:$0x3FAF] =	sst s0  }
0x9: {  	[smem:$0x3FB0] =	sst s1  }
0xa: {  	[smem:$0x3FB1] =	sst s2  }
0xb: {  	[smem:$0x3FB2] =	sst s3  }
0xc: {  	[smem:$0x3FB3] =	sst s4  }
0xd: {  	[smem:$0x3FB4] =	sst s5  }
0xe: {  	[smem:$0x3FB5] =	sst s6  }
0xf: {  	[smem:$0x3FB6] =	sst s7  }
0x10: {  	[smem:$0x3FB7] =	sst s8  }
0x11: {  	[smem:$0x3FB8] =	sst s9;
	s0 =	simm.s32 @!p0 $0x0  }
0x12: {  	s1 =	sld [smem:$0x3F9E];
	s0 =	simm.s32 @p0 $0x1  }
0x13: {  	[smem:$0x3FB9] =	sst s0;
	s0 =	simm.s32 @!p1 $0x0  }
0x14: {  	s2 =	sld [smem:$0x3F9D];
	s0 =	simm.s32 @p1 $0x1  }
0x15: {  	[smem:$0x3FBA] =	sst s0;
	s0 =	simm.s32 @!p2 $0x0  }
0x16: {  	s3 =	sld [smem:$0x3FDB];
	s0 =	simm.s32 @p2 $0x1  }
0x17: {  	s4 =	simm.s32 $0x1BF5;
	[smem:$0x3FBC] =	sst s0  }
0x18: {  	s0 =	sld [smem:$0x3F9F];
	_ =	swait.ge [sflag:s4], $0x0  }
0x19: {  	s7 =	sld [smem:$0x3FA0]  }
0x1a: {  	s8 =	sadd.s32 $0xFFFFE003, lr  }
0x1b: {  	s9 =	sadd.s32 $0xFFFFFEF7, lr;
	s5 =	simm.s32 $0xFFFFFFFF;
	p2 =	slt.u32 s8, $0xFFFFF086  }
0x1c: {  	p1 =	slt.u32 s9, $0xF7A;
	s5 =	simm.s32 @!p2 $0x0  }
0x1d: {  	s5 =	simm.s32 @p1 $0x1;
	p0 =	seq.s32 s7, s2  }
0x1e: {  	s7 =	smul.u32 @!p0 $0xF7A, s2;
	p2 =	seq.s32 @!p0 s5, $0x0  }
0x1f: {  	s9 =	smul.u32 $0xF7A, s1;
	s8 =	simm.s32 @!p0 $0x1BF5;
	p2 =	por !p2, p0  }
0x20: {  	[sflag:s8] =	ssyncset.s32 @!p0 $0xFFFFF086;
	s6 =	sadd.s32 @!p0 s3, s7;
	s7 =	simm.s32 @!p0 $0x108  }
0x21: {  	s3 =	sadd.s32 s3, s9;
	s6 =	sadd.s32 @!p0 $0x88, s6;
	s7 =	simm.s32 @p2 $0x1082  }
0x22: {  	[simem:s7], [sflag:s8] =	dma.local @!p0 [hbm:s6], $0xF7A  }
0x23: {  	s9 =	sor.u32 $0xD0000000, s2;
	s6 =	simm.s32 $0x108;
	_ =	swait.ge @!p0 [sflag:s8], $0x0  }
0x24: {  	s3 =	sadd.s32 $0x88, s3;
	s6 =	simm.s32 @!p1 $0x1082;
	[sflag:s4] =	ssyncset.s32 $0xFFFFF086  }
0x25: {  	[simem:s6], [sflag:s4] =	dma.local [hbm:s3], $0xF7A  }
0x26: {  	[smem:$0x3FA0] =	sst s1;
	(tag) =	ssettag s2;
	_ =	strace s9  }
0x27: {  	s1 =	sld [smem:$0x3FB0]  }
0x28: {  	s2 =	sld [smem:$0x3FB1]  }
0x29: {  	s4 =	sld [smem:$0x3FB3]  }
0x2a: {  	p0 =	seq.s32 s5, $0x0;
	s5 =	sld [smem:$0x3FB4]  }
0x2b: {  	s6 =	sld [smem:$0x3FB5]  }
0x2c: {  	s7 =	sld [smem:$0x3FB6]  }
0x2d: {  	s3 =	simm.s32 $0x108;
	s8 =	sld [smem:$0x3FB7]  }
0x2e: {  	s3 =	simm.s32 @!p0 $0x1082;
	s9 =	sld [smem:$0x3FB8]  }
0x2f: {  	lr =	sadd.s32 s0, s3;
	s0 =	sld [smem:$0x3FAF]  }
0x30: {  	s3 =	sld [smem:$0x3FB2]  }
0x31: {  	[smem:$0x3FBB] =	sst s10  }
0x32: {  	s10 =	sld [smem:$0x3FB9];
	_ =	sdelay $0x3  }
0x33: {  	p0 =	seq.s32 s10, $0x1;
	s10 =	sld [smem:$0x3FBB];
	_ =	sdelay $0x3  }
0x34: {  	[smem:$0x3FBB] =	sst s10  }
0x35: {  	s10 =	sld [smem:$0x3FBA];
	_ =	sdelay $0x3  }
0x36: {  	p1 =	seq.s32 s10, $0x1;
	s10 =	sld [smem:$0x3FBB];
	_ =	sdelay $0x3  }
0x37: {  	[smem:$0x3FBB] =	sst s10  }
0x38: {  	s10 =	sld [smem:$0x3FBC]  }
0x39: {  	_ = 	snop;
	(pc) =	sbr.ind lr, $3  }
0x3a: {  	_ = 	snop  }
0x3b: {  	_ = 	snop  }
0x3c: {  	p2 =	seq.s32 s10, $0x1;
	s10 =	sld [smem:$0x3FBB]  }
0x3d: {  	_ =	shalt  }
0x3e: {  	_ =	shalt  }
0x3f: {  	_ =	shalt  }
0x40: {  	_ =	shalt  }
0x41: {  	_ =	shalt  }
0x42: {  	_ =	shalt  }
0x43: {  	_ =	shalt  }
0x44: {  	_ =	shalt  }
0x45: {  	_ =	shalt  }
0x46: {  	_ =	shalt  }
0x47: {  	_ =	shalt  }
0x48: {  	_ =	shalt  }
0x49: {  	_ =	shalt  }
0x4a: {  	_ =	shalt  }
0x4b: {  	_ =	shalt  }
0x4c: {  	_ =	shalt  }
0x4d: {  	_ =	shalt  }
0x4e: {  	_ =	shalt  }
0x4f: {  	_ =	shalt  }
0x50: {  	_ =	shalt  }
0x51: {  	_ =	shalt  }
0x52: {  	_ =	shalt  }
0x53: {  	_ =	shalt  }
0x54: {  	_ =	shalt  }
0x55: {  	_ =	shalt  }
0x56: {  	_ =	shalt  }
0x57: {  	_ =	shalt  }
0x58: {  	_ =	shalt  }
0x59: {  	_ =	shalt  }
0x5a: {  	_ =	shalt  }
0x5b: {  	_ =	shalt  }
0x5c: {  	_ =	shalt  }
0x5d: {  	_ =	shalt  }
0x5e: {  	_ =	shalt  }
0x5f: {  	_ =	shalt  }
0x60: {  	_ =	shalt  }
0x61: {  	_ =	shalt  }
0x62: {  	_ =	shalt  }
0x63: {  	_ =	shalt  }
0x64: {  	_ =	shalt  }
0x65: {  	_ =	shalt  }
0x66: {  	_ =	shalt  }
0x67: {  	_ =	shalt  }
0x68: {  	_ =	shalt  }
0x69: {  	_ =	shalt  }
0x6a: {  	_ =	shalt  }
0x6b: {  	_ =	shalt  }
0x6c: {  	_ =	shalt  }
0x6d: {  	_ =	shalt  }
0x6e: {  	_ =	shalt  }
0x6f: {  	_ =	shalt  }
0x70: {  	_ =	shalt  }
0x71: {  	_ =	shalt  }
0x72: {  	_ =	shalt  }
0x73: {  	_ =	shalt  }
0x74: {  	_ =	shalt  }
0x75: {  	_ =	shalt  }
0x76: {  	_ =	shalt  }
0x77: {  	_ =	shalt  }
0x78: {  	_ =	shalt  }
0x79: {  	_ =	shalt  }
0x7a: {  	_ =	shalt  }
0x7b: {  	_ =	shalt  }
0x7c: {  	_ =	shalt  }
0x7d: {  	_ =	shalt  }
0x7e: {  	_ =	shalt  }
0x7f: {  	_ =	shalt  }
0x80: {  	_ =	shalt  }
0x81: {  	_ =	shalt  }
0x82: {  	_ =	shalt  }
0x83: {  	_ =	shalt  }
0x84: {  	_ =	shalt  }
0x85: {  	_ =	shalt  }
0x86: {  	_ =	shalt  }
0x87: {  	_ =	shalt  }
.Lfunc_end0:
.L_simem_size_0:
called_computation.1_lowered:
.L_overlay_start_0:
0x88: {  	s2 =	sld [smem:$0x3FD9]  }
0x89: {  	s3 =	sld [smem:$0x3FFE];
	_ =	sdelay $0x1  }
0x8a: {  	s1 =	srdreg.scid  }
0x8b: {  	s0 =	sand.u32 $0x1, s1  }
0x8c: {  	s17 =	sshll.u32 s0, $0xA;
	s2 =	sadd.s32 s3, s2  }
0x8d: {  	s2 =	sadd.s32 s2, s17  }
0x8e: {  	[smem:$0x3FC7] =	sst s2  }
0x8f: {  	_ = 	snop  }
0x90: {  	s2 =	sld [smem:$0x3FC9]  }
0x91: {  	s18 =	sld [smem:$0x3FD0];
	(tm) =	ssettm $0x1  }
0x92: {  	s4 =	sld [smem:$0x3FFB];
	_ =	sdelay $0x3  }
0x93: {  	_ =	strace s4  }
0x94: {  	s4 =	sld [smem:$0x3FFC];
	_ =	sdelay $0x3  }
0x95: {  	_ =	strace s4  }
0x96: {  	s4 =	sld [smem:$0x3FFD];
	_ =	sdelay $0x3  }
0x97: {  	_ =	strace s4  }
0x98: {  	_ =	strace $0x8FFFFFFF  }
0x99: {  	s19 =	sld [smem:$0x3FDB];
	_ =	sdelay $0x1  }
0x9a: {  	s5 =	simm.s32 $_scs_section_size  }
0x9b: {  	s6 =	simm.s32 $_size__tile_overlayer_lowered;
	s7 =	simm.s32 $_tile_overlayer_lowered  }
0x9c: {  	s22 =	simm.s32 $0x1BFF;
	s21 =	sshll.u32 s7, $0x1;
	s4 =	sadd.s32 s5, s19  }
0x9d: {  	s8 =	simm.s32 $0x0;
	s20 =	sshll.u32 s6, $0x1;
	s6 =	sadd.s32 s21, s4  }
0x9e: {  	[timem:s8], [sflag:s22] =	dma.local [hbm:s6], s20  }
0x9f: {  	_ =	swait.ge [sflag:s22], s20  }
0xa0: {  	s5 =	ssub.s32 $0x0, s20;
	[sflag:s22] =	ssyncset.done $0x0  }
0xa1: {  	[sflag:s22] =	ssyncadd.s32 s5;
	_ =	sdelay $0x1  }
0xa2: {  	s23 =	simm.s32 $0x1B8B  }
0xa3: {  	_ =	swait.ge [sflag:s23], $0x1  }
0xa4: {  	[sflag:s23] =	ssyncset.done $0x0  }
0xa5: {  	s25 =	simm.s32 $0x1B8E;
	s24 =	sld [smem:$0x3FFE];
	[sflag:s23] =	ssyncadd.s32 $0xFFFFFFFF  }
0xa6: {  	s26 =	simm.s32 $execute0_lowered;
	[smem:$0x3FD2] =	sst s25  }
0xa7: {  	s6 =	sshll.u32 s26, $0x1;
	_ =	strace $0x80000046;
	[dreg:$0x1] =	wrdreg $0xFFFFFFFF  }
0xa8: {  	s28 =	simm.s32 $_size_execute0_lowered;
	s4 =	sadd.s32 s4, s6;
	[dreg:$0x0] =	wrdreg $0x0  }
0xa9: {  	s6 =	sshll.u32 s28, $0x1;
	[dreg:$0x2] =	wrdreg s4  }
0xaa: {  	[dreg:$0x3] =	wrdreg s6  }
0xab: {  	[dreg:$0x4] =	wrdreg $0xC0  }
0xac: {  	_ =	task [dreg:s8], $0x5FFFF  }
0xad: {  	[dreg:$0x1] =	wrdreg $0xFFFFFFFF  }
0xae: {  	[dreg:$0x0] =	wrdreg $0x60  }
0xaf: {  	[dreg:$0x2] =	wrdreg s18  }
0xb0: {  	[dreg:$0x3] =	wrdreg s2  }
0xb1: {  	[dreg:$0x4] =	wrdreg s24  }
0xb2: {  	[dreg:$0x5] =	wrdreg $0x9  }
0xb3: {  	_ =	task.clear_ibuf [dreg:s8], $0x6FFFF;
	_ =	strace $0x90000046  }
0xb4: {  	s29 =	simm.s32 $0x9;
	_ =	strace $0x80000048  }
0xb5: {  	_ =	swait.ge [sflag:s29], $0x1  }
0xb6: {  	[sflag:s29] =	ssyncadd.s32 $0xFFFFFFFF  }
0xb7: {  	_ =	strace $0x90000048  }
0xb8: {  	_ =	sfence  }
0xb9: {  	s30 =	sld [smem:$0x0];
	_ =	sdelay $0x2  }
0xba: {  	s31 =	sshll.u32 s1, $0xD;
	s1 =	sshrl.u32 s1, $0x2  }
0xbb: {  	s3 =	sand.u32 $0x4000, s31;
	s1 =	sadd.s32 s1, s30  }
0xbc: {  	s0 =	sor.u32 s3, s0;
	s1 =	sshll.u32 s1, $0x11  }
0xbd: {  	s0 =	sor.u32 s1, s0  }
0xbe: {  	s0 =	sadd.s32 $0x8F2B, s0  }
0xbf: {  	[sflag:s0] =	ssyncadd.remote.s32 $0x1  }
0xc0: {  	_ =	sfence.sel $0xFFFF  }
0xc1: {  	[dreg:$0x0] =	wrdreg $0xFFFFFFFF;
	(pc) =	sbr.abs _section_cstart, $3  }
0xc2: {  	[dreg:$0x1] =	wrdreg $0xFFFFFFFF  }
0xc3: {  	_ =	task.clear_ibuf [dreg:s8], $0x2FFFF;
	_ =	strace $0x9FFFFFFF  }
0xc4: {  	(tm) =	ssettm $0x7FFFFFFF  }
0xc5: {  	_ =	shalt  }
tec
execute0_lowered:
.L_overlay_start_1:
0x0: {  	(tag) =	ssettag $0x1  }
0x1: {  	s1 =	srdreg.scid;
	s6 =	rddreg [dreg:$0x1]  }
0x2: {  	s0 =	stileid.u32;
	s3 =	simm.s32 $0x1;
	s7 =	rddreg [dreg:$0x2]  }
0x3: {  	s2 =	rddreg [dreg:$0x3];
	s12 =	simm.s32 $0xC000;
	s5 =	sand.u32 $0x1, s1  }
0x4: {  	s13 =	simm.s32 $0x2;
	s14 =	simm.s32 $0x0;
	s1 =	sor.u32 s5, s0  }
0x5: {  	p1 =	seq.s32 s5, $0x1;
	s9 =	sshll.u32 s5, $0xF;
	p0 =	seq.s32 s1, $0x0  }
0x6: {  	s10 =	ssub.s32 $0x2, s5;
	s5 =	sshll.u32 s5, $0x8;
	p0 =	por !p0, !p1  }
0x7: {  	v0 =	vlaneseq.u32;
	s1 =	rddreg [dreg:$0x0];
	s11 =	sshrl.u32 s10, $0x1;
	p0 =	por !p0, !p0  }
0x8: {  	v0 =	vmul.u32 $0x80, v0;
	s5 =	sadd.s32 s6, s5;
	s31 =	ssub.s32 s10, s11;
	s3 =	simm.s32 @!p0 $0x0  }
0x9: {  	v1 =	vimm.f32 $0.0e+00;
	v17 =	vimm.s32 $0x0;
	s10 =	simm.s32 $0x3;
	s11 =	simm.s32 $0x4000;
	s8 =	ssub.s32 s0, s3  }
0xa: {  	v2 =	vor.u32 $0x800, v0;
	v3 =	vor.u32 $0x1000, v0;
	v4 =	vor.u32 $0x1800, v0;
	s6 =	smax.u32 s31, $0x1;
	s3 =	simm.s32 $0x0;
	s4 =	sshll.u32 s8, $0x16  }
0xb: {  	v5 =	vor.u32 $0x2000, v0;
	v6 =	vor.u32 $0x2800, v0;
	v7 =	vor.u32 $0x3000, v0;
	[smem:$0x7FF] =	sst s3;
	s8 =	sshll.u32 s8, $0xC;
	s9 =	sor.u32 s9, s4  }
0xc: {  	v8 =	vor.u32 $0x3800, v0;
	v9 =	vor.u32 $0x4000, v0;
	v10 =	vor.u32 $0x4800, v0;
	_ =	strace $0x80000047;
	s8 =	sand.u32 $0x1FFFF000, s8;
	s9 =	sshrl.u32 s9, $0x3  }
0xd: {  	v11 =	vor.u32 $0x5000, v0;
	v12 =	vor.u32 $0x5800, v0;
	v13 =	vor.u32 $0x6000, v0;
	s4 =	simm.s32 $0x1;
	s5 =	sadd.s32 s8, s5;
	s7 =	sadd.s32 s9, s7  }
0xe: {  	v14 =	vor.u32 $0x6800, v0;
	v15 =	vor.u32 $0x7000, v0;
	v16 =	vor.u32 $0x7800, v0;
	s8 =	simm.s32 $0x800;
	s9 =	simm.s32 $0x1000;
	s7 =	sadd.s32 $0x800, s7  }
.LBB2_1:
0xf: {  	[tilespmem:s3], [sflag:$0x3] =	stream.strided.gather [hbm4b:s5+s8], $0x4000, s9, s8, $0x38;
	[tilespmem:$0x14200] =	vst v63  }
0x10: {  	_ =	swait.ge [sflag:s10], $0x4000  }
0x11: {  	[sflag:s10] =	ssyncset.done $0x0  }
0x12: {  	[sflag:s10] =	ssyncadd.s32 $0xFFFFC000  }
0x13: {  	[tilespmem:s11], [sflag:$0x3] =	stream.linear.gather [hbm4b:s1+s3], $0x8000, $0x38;
	[tilespmem:$0x14200] =	vst v63  }
0x14: {  	_ =	swait.ge [sflag:s10], $0x8000  }
0x15: {  	[sflag:s10] =	ssyncset.done $0x0  }
0x16: {  	[sflag:s10] =	ssyncadd.s32 $0xFFFF8000  }
0x17: {  	[tilespmem:s12], [sflag:$0x3] =	stream.linear.gather [hbm4b:s1+s3], $0x8000, $0x38;
	[tilespmem:$0x14200] =	vst v63  }
0x18: {  	s15 =	simm.s32 $0x0;
	s16 =	simm.s32 $0x0;
	_ =	swait.ge [sflag:s10], $0x8000  }
0x19: {  	s17 =	smov.u32 s7;
	s18 =	simm.s32 $0x0;
	[sflag:s10] =	ssyncset.done $0x0  }
0x1a: {  	s19 =	simm.s32 $0x0;
	s20 =	simm.s32 $0x0;
	[sflag:s10] =	ssyncadd.s32 $0xFFFF8000  }
.LBB2_2:
0x1b: {  	s22 =	sand.u32 $0x1, s20  }
0x1c: {  	p0 =	slt.u32 s20, $0x2;
	s21 =	sadd.s32 $0x1, s22  }
0x1d: {  	s23 =	smov.u32 s18;
	_ =	swait.ge @!p0 [sflag:s21], $0x8000  }
0x1e: {  	s23 =	sshll.u32 @!p0 s22, $0x9;
	[sflag:s21] =	ssyncset.done @!p0 $0x0  }
0x1f: {  	s25 =	sshrl.u32 @!p0 s23, $0x2;
	[sflag:s21] =	ssyncadd.s32 @!p0 $0xFFFF8000  }
0x20: {  	v18 =	vld @!p0 [tilespmem:s25+$0x14000];
	_ =	sdelay $0x4  }
0x21: {  	v18 =	vadd.s32 @!p0 v0, v18  }
0x22: {  	s24 =	smov.u32 s19  }
0x23: {  	s24 =	sshll.u32 @!p0 s22, $0x11  }
0x24: {  	s22 =	sshrl.u32 @!p0 s24, $0x2  }
0x25: {  	s22 =	sor.u32 @!p0 $0x4000, s22  }
0x26: {  	[tilespmem:v18+s22+$0x0] =	vst.idx.msk @!p0 $0xffff, v1  }
0x27: {  	v18 =	vld @!p0 [tilespmem:s25+$0x14010];
	_ =	sdelay $0x4  }
0x28: {  	v18 =	vadd.s32 @!p0 v2, v18;
	_ =	sdelay $0x4  }
0x29: {  	[tilespmem:v18+s22+$0x0] =	vst.idx.msk @!p0 $0xffff, v1  }
0x2a: {  	v18 =	vld @!p0 [tilespmem:s25+$0x14020];
	_ =	sdelay $0x4  }
0x2b: {  	v18 =	vadd.s32 @!p0 v3, v18;
	_ =	sdelay $0x4  }
0x2c: {  	[tilespmem:v18+s22+$0x0] =	vst.idx.msk @!p0 $0xffff, v1  }
0x2d: {  	v18 =	vld @!p0 [tilespmem:s25+$0x14030];
	_ =	sdelay $0x4  }
0x2e: {  	v18 =	vadd.s32 @!p0 v4, v18;
	_ =	sdelay $0x4  }
0x2f: {  	[tilespmem:v18+s22+$0x0] =	vst.idx.msk @!p0 $0xffff, v1  }
0x30: {  	v18 =	vld @!p0 [tilespmem:s25+$0x14040];
	_ =	sdelay $0x4  }
0x31: {  	v18 =	vadd.s32 @!p0 v5, v18;
	_ =	sdelay $0x4  }
0x32: {  	[tilespmem:v18+s22+$0x0] =	vst.idx.msk @!p0 $0xffff, v1  }
0x33: {  	v18 =	vld @!p0 [tilespmem:s25+$0x14050];
	_ =	sdelay $0x4  }
0x34: {  	v18 =	vadd.s32 @!p0 v6, v18;
	_ =	sdelay $0x4  }
0x35: {  	[tilespmem:v18+s22+$0x0] =	vst.idx.msk @!p0 $0xffff, v1  }
0x36: {  	v18 =	vld @!p0 [tilespmem:s25+$0x14060];
	_ =	sdelay $0x4  }
0x37: {  	v18 =	vadd.s32 @!p0 v7, v18;
	_ =	sdelay $0x4  }
0x38: {  	[tilespmem:v18+s22+$0x0] =	vst.idx.msk @!p0 $0xffff, v1  }
0x39: {  	v18 =	vld @!p0 [tilespmem:s25+$0x14070];
	_ =	sdelay $0x4  }
0x3a: {  	v18 =	vadd.s32 @!p0 v8, v18;
	_ =	sdelay $0x4  }
0x3b: {  	[tilespmem:v18+s22+$0x0] =	vst.idx.msk @!p0 $0xffff, v1  }
0x3c: {  	v18 =	vld @!p0 [tilespmem:s25+$0x14100];
	_ =	sdelay $0x4  }
0x3d: {  	v18 =	vadd.s32 @!p0 v9, v18;
	_ =	sdelay $0x4  }
0x3e: {  	[tilespmem:v18+s22+$0x0] =	vst.idx.msk @!p0 $0xffff, v1  }
0x3f: {  	v18 =	vld @!p0 [tilespmem:s25+$0x14110];
	_ =	sdelay $0x4  }
0x40: {  	v18 =	vadd.s32 @!p0 v10, v18;
	_ =	sdelay $0x4  }
0x41: {  	[tilespmem:v18+s22+$0x0] =	vst.idx.msk @!p0 $0xffff, v1  }
0x42: {  	v18 =	vld @!p0 [tilespmem:s25+$0x14120];
	_ =	sdelay $0x4  }
0x43: {  	v18 =	vadd.s32 @!p0 v11, v18;
	_ =	sdelay $0x4  }
0x44: {  	[tilespmem:v18+s22+$0x0] =	vst.idx.msk @!p0 $0xffff, v1  }
0x45: {  	v18 =	vld @!p0 [tilespmem:s25+$0x14130];
	_ =	sdelay $0x4  }
0x46: {  	v18 =	vadd.s32 @!p0 v12, v18;
	_ =	sdelay $0x4  }
0x47: {  	[tilespmem:v18+s22+$0x0] =	vst.idx.msk @!p0 $0xffff, v1  }
0x48: {  	v18 =	vld @!p0 [tilespmem:s25+$0x14140];
	_ =	sdelay $0x4  }
0x49: {  	v18 =	vadd.s32 @!p0 v13, v18;
	_ =	sdelay $0x4  }
0x4a: {  	[tilespmem:v18+s22+$0x0] =	vst.idx.msk @!p0 $0xffff, v1  }
0x4b: {  	v18 =	vld @!p0 [tilespmem:s25+$0x14150];
	_ =	sdelay $0x4  }
0x4c: {  	v18 =	vadd.s32 @!p0 v14, v18;
	_ =	sdelay $0x4  }
0x4d: {  	[tilespmem:v18+s22+$0x0] =	vst.idx.msk @!p0 $0xffff, v1  }
0x4e: {  	v18 =	vld @!p0 [tilespmem:s25+$0x14160];
	_ =	sdelay $0x4  }
0x4f: {  	v18 =	vadd.s32 @!p0 v15, v18;
	_ =	sdelay $0x4  }
0x50: {  	[tilespmem:v18+s22+$0x0] =	vst.idx.msk @!p0 $0xffff, v1  }
0x51: {  	v18 =	vld @!p0 [tilespmem:s25+$0x14170];
	_ =	sdelay $0x4  }
0x52: {  	v18 =	vadd.s32 @!p0 v16, v18;
	_ =	sdelay $0x3  }
0x53: {  	s29 =	sand.u32 $0x3800, s15;
	s30 =	sand.u32 $0x380, s16  }
0x54: {  	[tilespmem:v18+s22+$0x0] =	vst.idx.msk @!p0 $0xffff, v1;
	s22 =	sor.u32 s30, s29  }
0x55: {  	v18 =	vld [tilespmem:s22+$0x0];
	_ =	sdelay $0x4  }
0x56: {  	v18 =	vsub.f32 $0.0e+00, v18;
	_ =	sdelay $0x1  }
0x57: {  	v18 =	vmul.f32 $1.442695020e+00, v18;
	_ =	sdelay $0x1  }
0x58: {  	(erf) = vpow2.f32 v18;
	_ =	sdelay $0x8  }
0x59: {  	v18 =	vpop (erf)  }
0x5a: {  	v18 =	vadd.f32 $1.000000000e+00, v18;
	_ =	sdelay $0x1  }
0x5b: {  	(erf) = vrcp.f32 v18;
	_ =	sdelay $0x8  }
0x5c: {  	v18 =	vpop (erf)  }
0x5d: {  	v19 =	vsub.f32 $1.000000000e+00, v18;
	_ =	sdelay $0x1  }
0x5e: {  	v19 =	vmul.f32 $9.900000000e+01, v19;
	_ =	sdelay $0x1  }
0x5f: {  	v20 =	vtrunc.f32 v19  }
0x60: {  	v20 =	vcvt.f32.s32 v20;
	_ =	sdelay $0x1  }
0x61: {  	v21 =	vcvt.s32.f32 v20;
	_ =	sdelay $0x1  }
0x62: {  	v19 =	vsub.f32 v19, v21;
	_ =	sdelay $0x1  }
0x63: {  	vm0 =	vgt.f32 v19, $5.000000000e-01;
	vm1 =	veq.f32 v19, $5.000000000e-01;
	v19 =	vand.u32 $0x1, v20  }
0x64: {  	v42 =	vsel vm0, $0x1, v17;
	v19 =	vnsel vm1, $0x0, v19  }
0x65: {  	v19 =	vor.u32 v42, v19  }
0x66: {  	v19 =	vadd.s32 v20, v19  }
0x67: {  	vm14 =	vgt.s32 v19, $0x0  }
0x68: {  	v19 =	vnsel vm14, $0x0, v19  }
0x69: {  	v19 =	vmin.u32 v19, $0x63  }
0x6a: {  	v43 =	vor.u32 v0, v19;
	_ =	sdelay $0x2  }
0x6b: {  	s23 =	sshra.s32 s23, $0x2;
	vm15 =	vgt.f32 v18, $5.000000000e-01  }
0x6c: {  	s24 =	sshra.s32 s24, $0x2;
	v18 =	vsel vm15, $0x3F800000, v1;
	[tilespmem:s23+$0x14000] =	vst v19  }
0x6d: {  	[tilespmem:v43+s24+$0x4000] =	vst.idx.msk $0xffff, v18  }
0x6e: {  	v18 =	vld [tilespmem:s22+$0x10];
	_ =	sdelay $0x4  }
0x6f: {  	v18 =	vsub.f32 $0.0e+00, v18;
	_ =	sdelay $0x1  }
0x70: {  	v18 =	vmul.f32 $1.442695020e+00, v18;
	_ =	sdelay $0x1  }
0x71: {  	(erf) = vpow2.f32 v18;
	_ =	sdelay $0x8  }
0x72: {  	v18 =	vpop (erf)  }
0x73: {  	v18 =	vadd.f32 $1.000000000e+00, v18;
	_ =	sdelay $0x1  }
0x74: {  	(erf) = vrcp.f32 v18;
	_ =	sdelay $0x8  }
0x75: {  	v18 =	vpop (erf)  }
0x76: {  	v19 =	vsub.f32 $1.000000000e+00, v18;
	_ =	sdelay $0x1  }
0x77: {  	v19 =	vmul.f32 $9.900000000e+01, v19;
	_ =	sdelay $0x1  }
0x78: {  	v44 =	vtrunc.f32 v19  }
0x79: {  	v20 =	vcvt.f32.s32 v44;
	_ =	sdelay $0x1  }
0x7a: {  	v45 =	vcvt.s32.f32 v20;
	_ =	sdelay $0x1  }
0x7b: {  	v19 =	vsub.f32 v19, v45;
	_ =	sdelay $0x1  }
0x7c: {  	vm4 =	vgt.f32 v19, $5.000000000e-01;
	vm5 =	veq.f32 v19, $5.000000000e-01;
	v19 =	vand.u32 $0x1, v20  }
0x7d: {  	v46 =	vsel vm4, $0x1, v17;
	v19 =	vnsel vm5, $0x0, v19  }
0x7e: {  	v19 =	vor.u32 v46, v19  }
0x7f: {  	v19 =	vadd.s32 v20, v19  }
0x80: {  	vm6 =	vgt.s32 v19, $0x0  }
0x81: {  	v19 =	vnsel vm6, $0x0, v19  }
0x82: {  	v19 =	vmin.u32 v19, $0x63  }
0x83: {  	v47 =	vor.u32 v2, v19;
	_ =	sdelay $0x2  }
0x84: {  	vm7 =	vgt.f32 v18, $5.000000000e-01  }
0x85: {  	v18 =	vsel vm7, $0x3F800000, v1;
	[tilespmem:s23+$0x14010] =	vst v19  }
0x86: {  	[tilespmem:v47+s24+$0x4000] =	vst.idx.msk $0xffff, v18  }
0x87: {  	v18 =	vld [tilespmem:s22+$0x20];
	_ =	sdelay $0x4  }
0x88: {  	v18 =	vsub.f32 $0.0e+00, v18;
	_ =	sdelay $0x1  }
0x89: {  	v18 =	vmul.f32 $1.442695020e+00, v18;
	_ =	sdelay $0x1  }
0x8a: {  	(erf) = vpow2.f32 v18;
	_ =	sdelay $0x8  }
0x8b: {  	v18 =	vpop (erf)  }
0x8c: {  	v18 =	vadd.f32 $1.000000000e+00, v18;
	_ =	sdelay $0x1  }
0x8d: {  	(erf) = vrcp.f32 v18;
	_ =	sdelay $0x8  }
0x8e: {  	v18 =	vpop (erf)  }
0x8f: {  	v19 =	vsub.f32 $1.000000000e+00, v18;
	_ =	sdelay $0x1  }
0x90: {  	v19 =	vmul.f32 $9.900000000e+01, v19;
	_ =	sdelay $0x1  }
0x91: {  	v48 =	vtrunc.f32 v19  }
0x92: {  	v20 =	vcvt.f32.s32 v48;
	_ =	sdelay $0x1  }
0x93: {  	v49 =	vcvt.s32.f32 v20;
	_ =	sdelay $0x1  }
0x94: {  	v19 =	vsub.f32 v19, v49;
	_ =	sdelay $0x1  }
0x95: {  	vm8 =	vgt.f32 v19, $5.000000000e-01;
	vm9 =	veq.f32 v19, $5.000000000e-01;
	v19 =	vand.u32 $0x1, v20  }
0x96: {  	v50 =	vsel vm8, $0x1, v17;
	v19 =	vnsel vm9, $0x0, v19  }
0x97: {  	v19 =	vor.u32 v50, v19  }
0x98: {  	v19 =	vadd.s32 v20, v19  }
0x99: {  	vm10 =	vgt.s32 v19, $0x0  }
0x9a: {  	v19 =	vnsel vm10, $0x0, v19  }
0x9b: {  	v19 =	vmin.u32 v19, $0x63  }
0x9c: {  	v51 =	vor.u32 v3, v19;
	_ =	sdelay $0x2  }
0x9d: {  	vm11 =	vgt.f32 v18, $5.000000000e-01  }
0x9e: {  	v18 =	vsel vm11, $0x3F800000, v1;
	[tilespmem:s23+$0x14020] =	vst v19  }
0x9f: {  	[tilespmem:v51+s24+$0x4000] =	vst.idx.msk $0xffff, v18  }
0xa0: {  	v18 =	vld [tilespmem:s22+$0x30];
	_ =	sdelay $0x4  }
0xa1: {  	v18 =	vsub.f32 $0.0e+00, v18;
	_ =	sdelay $0x1  }
0xa2: {  	v18 =	vmul.f32 $1.442695020e+00, v18;
	_ =	sdelay $0x1  }
0xa3: {  	(erf) = vpow2.f32 v18;
	_ =	sdelay $0x8  }
0xa4: {  	v18 =	vpop (erf)  }
0xa5: {  	v18 =	vadd.f32 $1.000000000e+00, v18;
	_ =	sdelay $0x1  }
0xa6: {  	(erf) = vrcp.f32 v18;
	_ =	sdelay $0x8  }
0xa7: {  	v18 =	vpop (erf)  }
0xa8: {  	v19 =	vsub.f32 $1.000000000e+00, v18;
	_ =	sdelay $0x1  }
0xa9: {  	v19 =	vmul.f32 $9.900000000e+01, v19;
	_ =	sdelay $0x1  }
0xaa: {  	v52 =	vtrunc.f32 v19  }
0xab: {  	v20 =	vcvt.f32.s32 v52;
	_ =	sdelay $0x1  }
0xac: {  	v53 =	vcvt.s32.f32 v20;
	_ =	sdelay $0x1  }
0xad: {  	v19 =	vsub.f32 v19, v53;
	_ =	sdelay $0x1  }
0xae: {  	vm12 =	vgt.f32 v19, $5.000000000e-01;
	vm13 =	veq.f32 v19, $5.000000000e-01;
	v19 =	vand.u32 $0x1, v20  }
0xaf: {  	v54 =	vsel vm12, $0x1, v17;
	v19 =	vnsel vm13, $0x0, v19  }
0xb0: {  	v19 =	vor.u32 v54, v19  }
0xb1: {  	v19 =	vadd.s32 v20, v19  }
0xb2: {  	vm14 =	vgt.s32 v19, $0x0  }
0xb3: {  	v19 =	vnsel vm14, $0x0, v19  }
0xb4: {  	v19 =	vmin.u32 v19, $0x63  }
0xb5: {  	v55 =	vor.u32 v4, v19;
	_ =	sdelay $0x2  }
0xb6: {  	vm15 =	vgt.f32 v18, $5.000000000e-01  }
0xb7: {  	v18 =	vsel vm15, $0x3F800000, v1;
	[tilespmem:s23+$0x14030] =	vst v19  }
0xb8: {  	[tilespmem:v55+s24+$0x4000] =	vst.idx.msk $0xffff, v18  }
0xb9: {  	v18 =	vld [tilespmem:s22+$0x40];
	_ =	sdelay $0x4  }
0xba: {  	v18 =	vsub.f32 $0.0e+00, v18;
	_ =	sdelay $0x1  }
0xbb: {  	v18 =	vmul.f32 $1.442695020e+00, v18;
	_ =	sdelay $0x1  }
0xbc: {  	(erf) = vpow2.f32 v18;
	_ =	sdelay $0x8  }
0xbd: {  	v18 =	vpop (erf)  }
0xbe: {  	v18 =	vadd.f32 $1.000000000e+00, v18;
	_ =	sdelay $0x1  }
0xbf: {  	(erf) = vrcp.f32 v18;
	_ =	sdelay $0x8  }
0xc0: {  	v18 =	vpop (erf)  }
0xc1: {  	v19 =	vsub.f32 $1.000000000e+00, v18;
	_ =	sdelay $0x1  }
0xc2: {  	v19 =	vmul.f32 $9.900000000e+01, v19;
	_ =	sdelay $0x1  }
0xc3: {  	v56 =	vtrunc.f32 v19  }
0xc4: {  	v20 =	vcvt.f32.s32 v56;
	_ =	sdelay $0x1  }
0xc5: {  	v57 =	vcvt.s32.f32 v20;
	_ =	sdelay $0x1  }
0xc6: {  	v19 =	vsub.f32 v19, v57;
	_ =	sdelay $0x1  }
0xc7: {  	vm4 =	vgt.f32 v19, $5.000000000e-01;
	vm5 =	veq.f32 v19, $5.000000000e-01;
	v19 =	vand.u32 $0x1, v20  }
0xc8: {  	v58 =	vsel vm4, $0x1, v17;
	v19 =	vnsel vm5, $0x0, v19  }
0xc9: {  	v19 =	vor.u32 v58, v19  }
0xca: {  	v19 =	vadd.s32 v20, v19  }
0xcb: {  	vm6 =	vgt.s32 v19, $0x0  }
0xcc: {  	v19 =	vnsel vm6, $0x0, v19  }
0xcd: {  	v19 =	vmin.u32 v19, $0x63  }
0xce: {  	v59 =	vor.u32 v5, v19;
	_ =	sdelay $0x2  }
0xcf: {  	vm7 =	vgt.f32 v18, $5.000000000e-01  }
0xd0: {  	v18 =	vsel vm7, $0x3F800000, v1;
	[tilespmem:s23+$0x14040] =	vst v19  }
0xd1: {  	[tilespmem:v59+s24+$0x4000] =	vst.idx.msk $0xffff, v18  }
0xd2: {  	v18 =	vld [tilespmem:s22+$0x50];
	_ =	sdelay $0x4  }
0xd3: {  	v18 =	vsub.f32 $0.0e+00, v18;
	_ =	sdelay $0x1  }
0xd4: {  	v18 =	vmul.f32 $1.442695020e+00, v18;
	_ =	sdelay $0x1  }
0xd5: {  	(erf) = vpow2.f32 v18;
	_ =	sdelay $0x8  }
0xd6: {  	v18 =	vpop (erf)  }
0xd7: {  	v18 =	vadd.f32 $1.000000000e+00, v18;
	_ =	sdelay $0x1  }
0xd8: {  	(erf) = vrcp.f32 v18;
	_ =	sdelay $0x8  }
0xd9: {  	v18 =	vpop (erf)  }
0xda: {  	v19 =	vsub.f32 $1.000000000e+00, v18;
	_ =	sdelay $0x1  }
0xdb: {  	v19 =	vmul.f32 $9.900000000e+01, v19;
	_ =	sdelay $0x1  }
0xdc: {  	v60 =	vtrunc.f32 v19  }
0xdd: {  	v20 =	vcvt.f32.s32 v60;
	_ =	sdelay $0x1  }
0xde: {  	v61 =	vcvt.s32.f32 v20;
	_ =	sdelay $0x1  }
0xdf: {  	v19 =	vsub.f32 v19, v61;
	_ =	sdelay $0x1  }
0xe0: {  	vm8 =	vgt.f32 v19, $5.000000000e-01;
	vm9 =	veq.f32 v19, $5.000000000e-01;
	v19 =	vand.u32 $0x1, v20  }
0xe1: {  	v62 =	vsel vm8, $0x1, v17;
	v19 =	vnsel vm9, $0x0, v19  }
0xe2: {  	v19 =	vor.u32 v62, v19  }
0xe3: {  	v19 =	vadd.s32 v20, v19  }
0xe4: {  	vm10 =	vgt.s32 v19, $0x0  }
0xe5: {  	v19 =	vnsel vm10, $0x0, v19  }
0xe6: {  	v19 =	vmin.u32 v19, $0x63  }
0xe7: {  	v63 =	vor.u32 v6, v19;
	_ =	sdelay $0x2  }
0xe8: {  	vm11 =	vgt.f32 v18, $5.000000000e-01  }
0xe9: {  	v18 =	vsel vm11, $0x3F800000, v1;
	[tilespmem:s23+$0x14050] =	vst v19  }
0xea: {  	[tilespmem:v63+s24+$0x4000] =	vst.idx.msk $0xffff, v18  }
0xeb: {  	v18 =	vld [tilespmem:s22+$0x60];
	_ =	sdelay $0x4  }
0xec: {  	v18 =	vsub.f32 $0.0e+00, v18;
	_ =	sdelay $0x1  }
0xed: {  	v18 =	vmul.f32 $1.442695020e+00, v18;
	_ =	sdelay $0x1  }
0xee: {  	(erf) = vpow2.f32 v18;
	_ =	sdelay $0x8  }
0xef: {  	v18 =	vpop (erf)  }
0xf0: {  	v18 =	vadd.f32 $1.000000000e+00, v18;
	_ =	sdelay $0x1  }
0xf1: {  	(erf) = vrcp.f32 v18;
	_ =	sdelay $0x8  }
0xf2: {  	v18 =	vpop (erf)  }
0xf3: {  	v19 =	vsub.f32 $1.000000000e+00, v18;
	_ =	sdelay $0x1  }
0xf4: {  	v19 =	vmul.f32 $9.900000000e+01, v19;
	_ =	sdelay $0x1  }
0xf5: {  	v24 =	vtrunc.f32 v19  }
0xf6: {  	v20 =	vcvt.f32.s32 v24;
	_ =	sdelay $0x1  }
0xf7: {  	v25 =	vcvt.s32.f32 v20;
	_ =	sdelay $0x1  }
0xf8: {  	v19 =	vsub.f32 v19, v25;
	_ =	sdelay $0x1  }
0xf9: {  	vm12 =	vgt.f32 v19, $5.000000000e-01;
	vm13 =	veq.f32 v19, $5.000000000e-01;
	v19 =	vand.u32 $0x1, v20  }
0xfa: {  	v26 =	vsel vm12, $0x1, v17;
	v19 =	vnsel vm13, $0x0, v19  }
0xfb: {  	v19 =	vor.u32 v26, v19  }
0xfc: {  	v19 =	vadd.s32 v20, v19  }
0xfd: {  	vm14 =	vgt.s32 v19, $0x0  }
0xfe: {  	v19 =	vnsel vm14, $0x0, v19  }
0xff: {  	v19 =	vmin.u32 v19, $0x63  }
0x100: {  	v27 =	vor.u32 v7, v19;
	_ =	sdelay $0x2  }
0x101: {  	vm15 =	vgt.f32 v18, $5.000000000e-01  }
0x102: {  	v18 =	vsel vm15, $0x3F800000, v1;
	[tilespmem:s23+$0x14060] =	vst v19  }
0x103: {  	[tilespmem:v27+s24+$0x4000] =	vst.idx.msk $0xffff, v18  }
0x104: {  	v18 =	vld [tilespmem:s22+$0x70];
	_ =	sdelay $0x4  }
0x105: {  	v18 =	vsub.f32 $0.0e+00, v18;
	_ =	sdelay $0x1  }
0x106: {  	v18 =	vmul.f32 $1.442695020e+00, v18;
	_ =	sdelay $0x1  }
0x107: {  	(erf) = vpow2.f32 v18;
	_ =	sdelay $0x8  }
0x108: {  	v18 =	vpop (erf)  }
0x109: {  	v18 =	vadd.f32 $1.000000000e+00, v18;
	_ =	sdelay $0x1  }
0x10a: {  	(erf) = vrcp.f32 v18;
	_ =	sdelay $0x8  }
0x10b: {  	v18 =	vpop (erf)  }
0x10c: {  	v19 =	vsub.f32 $1.000000000e+00, v18;
	_ =	sdelay $0x1  }
0x10d: {  	v19 =	vmul.f32 $9.900000000e+01, v19;
	_ =	sdelay $0x1  }
0x10e: {  	v28 =	vtrunc.f32 v19  }
0x10f: {  	v20 =	vcvt.f32.s32 v28;
	_ =	sdelay $0x1  }
0x110: {  	v29 =	vcvt.s32.f32 v20;
	_ =	sdelay $0x1  }
0x111: {  	v19 =	vsub.f32 v19, v29;
	_ =	sdelay $0x1  }
0x112: {  	vm4 =	vgt.f32 v19, $5.000000000e-01;
	vm5 =	veq.f32 v19, $5.000000000e-01;
	v19 =	vand.u32 $0x1, v20  }
0x113: {  	v30 =	vsel vm4, $0x1, v17;
	v19 =	vnsel vm5, $0x0, v19  }
0x114: {  	v19 =	vor.u32 v30, v19  }
0x115: {  	v19 =	vadd.s32 v20, v19  }
0x116: {  	vm6 =	vgt.s32 v19, $0x0  }
0x117: {  	v19 =	vnsel vm6, $0x0, v19  }
0x118: {  	v19 =	vmin.u32 v19, $0x63  }
0x119: {  	v31 =	vor.u32 v8, v19;
	_ =	sdelay $0x2  }
0x11a: {  	vm7 =	vgt.f32 v18, $5.000000000e-01  }
0x11b: {  	v18 =	vsel vm7, $0x3F800000, v1;
	[tilespmem:s23+$0x14070] =	vst v19  }
0x11c: {  	[tilespmem:v31+s24+$0x4000] =	vst.idx.msk $0xffff, v18  }
0x11d: {  	v18 =	vld [tilespmem:s22+$0x400];
	_ =	sdelay $0x4  }
0x11e: {  	v18 =	vsub.f32 $0.0e+00, v18;
	_ =	sdelay $0x1  }
0x11f: {  	v18 =	vmul.f32 $1.442695020e+00, v18;
	_ =	sdelay $0x1  }
0x120: {  	(erf) = vpow2.f32 v18;
	_ =	sdelay $0x8  }
0x121: {  	v18 =	vpop (erf)  }
0x122: {  	v18 =	vadd.f32 $1.000000000e+00, v18;
	_ =	sdelay $0x1  }
0x123: {  	(erf) = vrcp.f32 v18;
	_ =	sdelay $0x8  }
0x124: {  	v18 =	vpop (erf)  }
0x125: {  	v19 =	vsub.f32 $1.000000000e+00, v18;
	_ =	sdelay $0x1  }
0x126: {  	v19 =	vmul.f32 $9.900000000e+01, v19;
	_ =	sdelay $0x1  }
0x127: {  	v32 =	vtrunc.f32 v19  }
0x128: {  	v20 =	vcvt.f32.s32 v32;
	_ =	sdelay $0x1  }
0x129: {  	v33 =	vcvt.s32.f32 v20;
	_ =	sdelay $0x1  }
0x12a: {  	v19 =	vsub.f32 v19, v33;
	_ =	sdelay $0x1  }
0x12b: {  	vm8 =	vgt.f32 v19, $5.000000000e-01;
	vm9 =	veq.f32 v19, $5.000000000e-01;
	v19 =	vand.u32 $0x1, v20  }
0x12c: {  	v34 =	vsel vm8, $0x1, v17;
	v19 =	vnsel vm9, $0x0, v19  }
0x12d: {  	v19 =	vor.u32 v34, v19  }
0x12e: {  	v19 =	vadd.s32 v20, v19  }
0x12f: {  	vm10 =	vgt.s32 v19, $0x0  }
0x130: {  	v19 =	vnsel vm10, $0x0, v19  }
0x131: {  	v19 =	vmin.u32 v19, $0x63  }
0x132: {  	v35 =	vor.u32 v9, v19;
	_ =	sdelay $0x2  }
0x133: {  	vm11 =	vgt.f32 v18, $5.000000000e-01  }
0x134: {  	v18 =	vsel vm11, $0x3F800000, v1;
	[tilespmem:s23+$0x14100] =	vst v19  }
0x135: {  	[tilespmem:v35+s24+$0x4000] =	vst.idx.msk $0xffff, v18  }
0x136: {  	v18 =	vld [tilespmem:s22+$0x410];
	_ =	sdelay $0x4  }
0x137: {  	v18 =	vsub.f32 $0.0e+00, v18;
	_ =	sdelay $0x1  }
0x138: {  	v18 =	vmul.f32 $1.442695020e+00, v18;
	_ =	sdelay $0x1  }
0x139: {  	(erf) = vpow2.f32 v18;
	_ =	sdelay $0x8  }
0x13a: {  	v18 =	vpop (erf)  }
0x13b: {  	v18 =	vadd.f32 $1.000000000e+00, v18;
	_ =	sdelay $0x1  }
0x13c: {  	(erf) = vrcp.f32 v18;
	_ =	sdelay $0x8  }
0x13d: {  	v18 =	vpop (erf)  }
0x13e: {  	v19 =	vsub.f32 $1.000000000e+00, v18;
	_ =	sdelay $0x1  }
0x13f: {  	v19 =	vmul.f32 $9.900000000e+01, v19;
	_ =	sdelay $0x1  }
0x140: {  	v36 =	vtrunc.f32 v19  }
0x141: {  	v20 =	vcvt.f32.s32 v36;
	_ =	sdelay $0x1  }
0x142: {  	v37 =	vcvt.s32.f32 v20;
	_ =	sdelay $0x1  }
0x143: {  	v19 =	vsub.f32 v19, v37;
	_ =	sdelay $0x1  }
0x144: {  	vm12 =	vgt.f32 v19, $5.000000000e-01;
	vm13 =	veq.f32 v19, $5.000000000e-01;
	v19 =	vand.u32 $0x1, v20  }
0x145: {  	v38 =	vsel vm12, $0x1, v17;
	v19 =	vnsel vm13, $0x0, v19  }
0x146: {  	v19 =	vor.u32 v38, v19  }
0x147: {  	v19 =	vadd.s32 v20, v19  }
0x148: {  	vm14 =	vgt.s32 v19, $0x0  }
0x149: {  	v19 =	vnsel vm14, $0x0, v19  }
0x14a: {  	v19 =	vmin.u32 v19, $0x63  }
0x14b: {  	v39 =	vor.u32 v10, v19;
	_ =	sdelay $0x2  }
0x14c: {  	vm15 =	vgt.f32 v18, $5.000000000e-01  }
0x14d: {  	v18 =	vsel vm15, $0x3F800000, v1;
	[tilespmem:s23+$0x14110] =	vst v19  }
0x14e: {  	[tilespmem:v39+s24+$0x4000] =	vst.idx.msk $0xffff, v18  }
0x14f: {  	v18 =	vld [tilespmem:s22+$0x420];
	_ =	sdelay $0x4  }
0x150: {  	v18 =	vsub.f32 $0.0e+00, v18;
	_ =	sdelay $0x1  }
0x151: {  	v18 =	vmul.f32 $1.442695020e+00, v18;
	_ =	sdelay $0x1  }
0x152: {  	(erf) = vpow2.f32 v18;
	_ =	sdelay $0x8  }
0x153: {  	v18 =	vpop (erf)  }
0x154: {  	v18 =	vadd.f32 $1.000000000e+00, v18;
	_ =	sdelay $0x1  }
0x155: {  	(erf) = vrcp.f32 v18;
	_ =	sdelay $0x8  }
0x156: {  	v18 =	vpop (erf)  }
0x157: {  	v19 =	vsub.f32 $1.000000000e+00, v18;
	_ =	sdelay $0x1  }
0x158: {  	v19 =	vmul.f32 $9.900000000e+01, v19;
	_ =	sdelay $0x1  }
0x159: {  	v40 =	vtrunc.f32 v19  }
0x15a: {  	v20 =	vcvt.f32.s32 v40;
	_ =	sdelay $0x1  }
0x15b: {  	v41 =	vcvt.s32.f32 v20;
	_ =	sdelay $0x1  }
0x15c: {  	v19 =	vsub.f32 v19, v41;
	_ =	sdelay $0x1  }
0x15d: {  	vm4 =	vgt.f32 v19, $5.000000000e-01;
	vm5 =	veq.f32 v19, $5.000000000e-01;
	v19 =	vand.u32 $0x1, v20  }
0x15e: {  	v42 =	vsel vm4, $0x1, v17;
	v19 =	vnsel vm5, $0x0, v19  }
0x15f: {  	v19 =	vor.u32 v42, v19  }
0x160: {  	v19 =	vadd.s32 v20, v19  }
0x161: {  	vm6 =	vgt.s32 v19, $0x0  }
0x162: {  	v19 =	vnsel vm6, $0x0, v19  }
0x163: {  	v19 =	vmin.u32 v19, $0x63  }
0x164: {  	v43 =	vor.u32 v11, v19;
	_ =	sdelay $0x2  }
0x165: {  	vm7 =	vgt.f32 v18, $5.000000000e-01  }
0x166: {  	v18 =	vsel vm7, $0x3F800000, v1;
	[tilespmem:s23+$0x14120] =	vst v19  }
0x167: {  	[tilespmem:v43+s24+$0x4000] =	vst.idx.msk $0xffff, v18  }
0x168: {  	v18 =	vld [tilespmem:s22+$0x430];
	_ =	sdelay $0x4  }
0x169: {  	v18 =	vsub.f32 $0.0e+00, v18;
	_ =	sdelay $0x1  }
0x16a: {  	v18 =	vmul.f32 $1.442695020e+00, v18;
	_ =	sdelay $0x1  }
0x16b: {  	(erf) = vpow2.f32 v18;
	_ =	sdelay $0x8  }
0x16c: {  	v18 =	vpop (erf)  }
0x16d: {  	v18 =	vadd.f32 $1.000000000e+00, v18;
	_ =	sdelay $0x1  }
0x16e: {  	(erf) = vrcp.f32 v18;
	_ =	sdelay $0x8  }
0x16f: {  	v18 =	vpop (erf)  }
0x170: {  	v19 =	vsub.f32 $1.000000000e+00, v18;
	_ =	sdelay $0x1  }
0x171: {  	v19 =	vmul.f32 $9.900000000e+01, v19;
	_ =	sdelay $0x1  }
0x172: {  	v44 =	vtrunc.f32 v19  }
0x173: {  	v20 =	vcvt.f32.s32 v44;
	_ =	sdelay $0x1  }
0x174: {  	v45 =	vcvt.s32.f32 v20;
	_ =	sdelay $0x1  }
0x175: {  	v19 =	vsub.f32 v19, v45;
	_ =	sdelay $0x1  }
0x176: {  	vm8 =	vgt.f32 v19, $5.000000000e-01;
	vm9 =	veq.f32 v19, $5.000000000e-01;
	v19 =	vand.u32 $0x1, v20  }
0x177: {  	v46 =	vsel vm8, $0x1, v17;
	v19 =	vnsel vm9, $0x0, v19  }
0x178: {  	v19 =	vor.u32 v46, v19  }
0x179: {  	v19 =	vadd.s32 v20, v19  }
0x17a: {  	vm10 =	vgt.s32 v19, $0x0  }
0x17b: {  	v19 =	vnsel vm10, $0x0, v19  }
0x17c: {  	v19 =	vmin.u32 v19, $0x63  }
0x17d: {  	v47 =	vor.u32 v12, v19;
	_ =	sdelay $0x2  }
0x17e: {  	vm11 =	vgt.f32 v18, $5.000000000e-01  }
0x17f: {  	v18 =	vsel vm11, $0x3F800000, v1;
	[tilespmem:s23+$0x14130] =	vst v19  }
0x180: {  	[tilespmem:v47+s24+$0x4000] =	vst.idx.msk $0xffff, v18  }
0x181: {  	v18 =	vld [tilespmem:s22+$0x440];
	_ =	sdelay $0x4  }
0x182: {  	v18 =	vsub.f32 $0.0e+00, v18;
	_ =	sdelay $0x1  }
0x183: {  	v18 =	vmul.f32 $1.442695020e+00, v18;
	_ =	sdelay $0x1  }
0x184: {  	(erf) = vpow2.f32 v18;
	_ =	sdelay $0x8  }
0x185: {  	v18 =	vpop (erf)  }
0x186: {  	v18 =	vadd.f32 $1.000000000e+00, v18;
	_ =	sdelay $0x1  }
0x187: {  	(erf) = vrcp.f32 v18;
	_ =	sdelay $0x8  }
0x188: {  	v18 =	vpop (erf)  }
0x189: {  	v19 =	vsub.f32 $1.000000000e+00, v18;
	_ =	sdelay $0x1  }
0x18a: {  	v19 =	vmul.f32 $9.900000000e+01, v19;
	_ =	sdelay $0x1  }
0x18b: {  	v48 =	vtrunc.f32 v19  }
0x18c: {  	v20 =	vcvt.f32.s32 v48;
	_ =	sdelay $0x1  }
0x18d: {  	v49 =	vcvt.s32.f32 v20;
	_ =	sdelay $0x1  }
0x18e: {  	v19 =	vsub.f32 v19, v49;
	_ =	sdelay $0x1  }
0x18f: {  	vm12 =	vgt.f32 v19, $5.000000000e-01;
	vm13 =	veq.f32 v19, $5.000000000e-01;
	v19 =	vand.u32 $0x1, v20  }
0x190: {  	v50 =	vsel vm12, $0x1, v17;
	v19 =	vnsel vm13, $0x0, v19  }
0x191: {  	v19 =	vor.u32 v50, v19  }
0x192: {  	v19 =	vadd.s32 v20, v19  }
0x193: {  	vm14 =	vgt.s32 v19, $0x0  }
0x194: {  	v19 =	vnsel vm14, $0x0, v19  }
0x195: {  	v19 =	vmin.u32 v19, $0x63  }
0x196: {  	v51 =	vor.u32 v13, v19;
	_ =	sdelay $0x2  }
0x197: {  	vm15 =	vgt.f32 v18, $5.000000000e-01  }
0x198: {  	v18 =	vsel vm15, $0x3F800000, v1;
	[tilespmem:s23+$0x14140] =	vst v19  }
0x199: {  	[tilespmem:v51+s24+$0x4000] =	vst.idx.msk $0xffff, v18  }
0x19a: {  	v18 =	vld [tilespmem:s22+$0x450];
	_ =	sdelay $0x4  }
0x19b: {  	v18 =	vsub.f32 $0.0e+00, v18;
	_ =	sdelay $0x1  }
0x19c: {  	v18 =	vmul.f32 $1.442695020e+00, v18;
	_ =	sdelay $0x1  }
0x19d: {  	(erf) = vpow2.f32 v18;
	_ =	sdelay $0x8  }
0x19e: {  	v18 =	vpop (erf)  }
0x19f: {  	v18 =	vadd.f32 $1.000000000e+00, v18;
	_ =	sdelay $0x1  }
0x1a0: {  	(erf) = vrcp.f32 v18;
	_ =	sdelay $0x8  }
0x1a1: {  	v18 =	vpop (erf)  }
0x1a2: {  	v19 =	vsub.f32 $1.000000000e+00, v18;
	_ =	sdelay $0x1  }
0x1a3: {  	v19 =	vmul.f32 $9.900000000e+01, v19;
	_ =	sdelay $0x1  }
0x1a4: {  	v52 =	vtrunc.f32 v19  }
0x1a5: {  	v20 =	vcvt.f32.s32 v52;
	_ =	sdelay $0x1  }
0x1a6: {  	v53 =	vcvt.s32.f32 v20;
	_ =	sdelay $0x1  }
0x1a7: {  	v19 =	vsub.f32 v19, v53;
	_ =	sdelay $0x1  }
0x1a8: {  	vm4 =	vgt.f32 v19, $5.000000000e-01;
	vm5 =	veq.f32 v19, $5.000000000e-01;
	v19 =	vand.u32 $0x1, v20  }
0x1a9: {  	v54 =	vsel vm4, $0x1, v17;
	v19 =	vnsel vm5, $0x0, v19  }
0x1aa: {  	v19 =	vor.u32 v54, v19  }
0x1ab: {  	v19 =	vadd.s32 v20, v19  }
0x1ac: {  	vm6 =	vgt.s32 v19, $0x0  }
0x1ad: {  	v19 =	vnsel vm6, $0x0, v19  }
0x1ae: {  	v19 =	vmin.u32 v19, $0x63  }
0x1af: {  	v55 =	vor.u32 v14, v19;
	_ =	sdelay $0x2  }
0x1b0: {  	vm7 =	vgt.f32 v18, $5.000000000e-01  }
0x1b1: {  	v18 =	vsel vm7, $0x3F800000, v1;
	[tilespmem:s23+$0x14150] =	vst v19  }
0x1b2: {  	[tilespmem:v55+s24+$0x4000] =	vst.idx.msk $0xffff, v18  }
0x1b3: {  	v18 =	vld [tilespmem:s22+$0x460];
	_ =	sdelay $0x4  }
0x1b4: {  	v18 =	vsub.f32 $0.0e+00, v18;
	_ =	sdelay $0x1  }
0x1b5: {  	v18 =	vmul.f32 $1.442695020e+00, v18;
	_ =	sdelay $0x1  }
0x1b6: {  	(erf) = vpow2.f32 v18;
	_ =	sdelay $0x8  }
0x1b7: {  	v18 =	vpop (erf)  }
0x1b8: {  	v18 =	vadd.f32 $1.000000000e+00, v18;
	_ =	sdelay $0x1  }
0x1b9: {  	(erf) = vrcp.f32 v18;
	_ =	sdelay $0x8  }
0x1ba: {  	v18 =	vpop (erf)  }
0x1bb: {  	v19 =	vsub.f32 $1.000000000e+00, v18;
	_ =	sdelay $0x1  }
0x1bc: {  	v19 =	vmul.f32 $9.900000000e+01, v19;
	_ =	sdelay $0x1  }
0x1bd: {  	v56 =	vtrunc.f32 v19  }
0x1be: {  	v20 =	vcvt.f32.s32 v56;
	_ =	sdelay $0x1  }
0x1bf: {  	v57 =	vcvt.s32.f32 v20;
	_ =	sdelay $0x1  }
0x1c0: {  	v19 =	vsub.f32 v19, v57;
	_ =	sdelay $0x1  }
0x1c1: {  	vm8 =	vgt.f32 v19, $5.000000000e-01;
	vm9 =	veq.f32 v19, $5.000000000e-01;
	v19 =	vand.u32 $0x1, v20  }
0x1c2: {  	v58 =	vsel vm8, $0x1, v17;
	v19 =	vnsel vm9, $0x0, v19  }
0x1c3: {  	v19 =	vor.u32 v58, v19  }
0x1c4: {  	v19 =	vadd.s32 v20, v19  }
0x1c5: {  	vm10 =	vgt.s32 v19, $0x0  }
0x1c6: {  	v19 =	vnsel vm10, $0x0, v19  }
0x1c7: {  	v19 =	vmin.u32 v19, $0x63  }
0x1c8: {  	v59 =	vor.u32 v15, v19;
	_ =	sdelay $0x2  }
0x1c9: {  	vm11 =	vgt.f32 v18, $5.000000000e-01  }
0x1ca: {  	v18 =	vsel vm11, $0x3F800000, v1;
	[tilespmem:s23+$0x14160] =	vst v19  }
0x1cb: {  	[tilespmem:v59+s24+$0x4000] =	vst.idx.msk $0xffff, v18  }
0x1cc: {  	v18 =	vld [tilespmem:s22+$0x470];
	_ =	sdelay $0x4  }
0x1cd: {  	v18 =	vsub.f32 $0.0e+00, v18;
	_ =	sdelay $0x1  }
0x1ce: {  	v18 =	vmul.f32 $1.442695020e+00, v18;
	_ =	sdelay $0x1  }
0x1cf: {  	(erf) = vpow2.f32 v18;
	_ =	sdelay $0x8  }
0x1d0: {  	v18 =	vpop (erf)  }
0x1d1: {  	v18 =	vadd.f32 $1.000000000e+00, v18;
	_ =	sdelay $0x1  }
0x1d2: {  	(erf) = vrcp.f32 v18;
	_ =	sdelay $0x8  }
0x1d3: {  	v18 =	vpop (erf)  }
0x1d4: {  	v19 =	vsub.f32 $1.000000000e+00, v18;
	_ =	sdelay $0x1  }
0x1d5: {  	v19 =	vmul.f32 $9.900000000e+01, v19;
	_ =	sdelay $0x1  }
0x1d6: {  	v60 =	vtrunc.f32 v19  }
0x1d7: {  	v20 =	vcvt.f32.s32 v60;
	_ =	sdelay $0x1  }
0x1d8: {  	v61 =	vcvt.s32.f32 v20;
	_ =	sdelay $0x1  }
0x1d9: {  	v19 =	vsub.f32 v19, v61;
	_ =	sdelay $0x1  }
0x1da: {  	vm12 =	vgt.f32 v19, $5.000000000e-01;
	vm13 =	veq.f32 v19, $5.000000000e-01;
	v19 =	vand.u32 $0x1, v20  }
0x1db: {  	v62 =	vsel vm12, $0x1, v17;
	v19 =	vnsel vm13, $0x0, v19  }
0x1dc: {  	v19 =	vor.u32 v62, v19  }
0x1dd: {  	v19 =	vadd.s32 v20, v19  }
0x1de: {  	vm14 =	vgt.s32 v19, $0x0  }
0x1df: {  	v19 =	vnsel vm14, $0x0, v19  }
0x1e0: {  	v19 =	vmin.u32 v19, $0x63  }
0x1e1: {  	v63 =	vor.u32 v16, v19  }
0x1e2: {  	s18 =	sadd.s32 $0x200, s18  }
0x1e3: {  	p0 =	sne.s32 s18, $0x8000  }
.Ltmp0:
0x1e4: {  	vm15 =	vgt.f32 v18, $5.000000000e-01;
	(pc) =	sbr.rel @p0 .LBB2_2-.Ltmp0, $4  }
0x1e5: {  	v18 =	vsel vm15, $0x3F800000, v1;
	[tilespmem:s23+$0x14170] =	vst v19  }
0x1e6: {  	s20 =	sadd.s32 $0x1, s20;
	s19 =	sadd.s32 $0x20000, s19;
	s31 =	sadd.s32 $0x4000, s24;
	[tilespmem:v63+s24+$0x4000] =	vst.idx.msk $0xffff, v18  }
0x1e7: {  	[hbm4b:s17+s3] =	stream.linear.scatter [tilespmem:s31], [sflag:s21], $0x8000, $0x38;
	[tilespmem:$0x14200] =	vst v63  }
0x1e8: {  	s16 =	sadd.s32 $0x80, s16;
	s15 =	sadd.s32 $0x100, s15;
	s17 =	sadd.s32 $0x2000, s17  }
0x1e9: {  	s14 =	sadd.s32 $0x1, s14  }
0x1ea: {  	_ =	swait.ge [sflag:s4], $0x8000;
	p0 =	sne.s32 s14, s6  }
.Ltmp1:
0x1eb: {  	[sflag:s4] =	ssyncset.done $0x0;
	(pc) =	sbr.rel @p0 .LBB2_1-.Ltmp1, $4  }
0x1ec: {  	[sflag:s4] =	ssyncadd.s32 $0xFFFF8000  }
0x1ed: {  	_ =	swait.ge [sflag:s13], $0x8000  }
0x1ee: {  	[sflag:s13] =	ssyncset.done $0x0  }
0x1ef: {  	[sflag:s13] =	ssyncadd.s32 $0xFFFF8000  }
0x1f0: {  	_ =	sfence.sel $0x180000  }
0x1f1: {  	[bflag:$0x0] =	sbarrier.arrive $0xFFFF  }
0x1f2: {  	p0 =	sne.s32 s0, $0x0;
	_ =	strace $0x90000047  }
0x1f3: {  	s0 =	sadd.s32 @!p0 $0x100000, s2;
	[bflag:$0x2] =	sbarrier.arrive $0xFFFF  }
0x1f4: {  	[sflag:s0] =	ssyncadd.tile.s32 @!p0 $0x1;
	_ =	shalt  }
.Lfunc_end2:
_tile_overlayer_lowered:
.L_overlay_start_2:
0x1f5: {  	(tag) =	ssettag $0x2  }
0x1f6: {  	s0 =	rddreg [dreg:$0x0];
	s2 =	stileid.u32  }
0x1f7: {  	s1 =	rddreg [dreg:$0x1];
	p0 =	sne.s32 s2, $0x0  }
0x1f8: {  	s3 =	rddreg [dreg:$0x2];
	[bflag:$0x3] =	sbarrier.arrive $0xFFFF;
	s2 =	simm.s32 @!p0 $0x1C03  }
0x1f9: {  	[timem:s3], [sflag:s2] =	dma.local @!p0 [hbm:s0], s1  }
0x1fa: {  	s0 =	simm.s32 @!p0 $0x3  }
0x1fb: {  	_ =	swait.ge @!p0 [sflag:s0], s1  }
0x1fc: {  	s1 =	ssub.s32 @!p0 $0x0, s1;
	[sflag:s0] =	ssyncset.done @!p0 $0x0  }
0x1fd: {  	[sflag:s0] =	ssyncadd.s32 @!p0 s1  }
0x1fe: {  	[bflag:$0x3] =	sbarrier.arrive $0xFFFF  }
0x1ff: {  	_ =	shalt  }

// kernel: sparse-core-data-format-call.cloned.1.call-start
scs
called_computation_lowered:
.L_overlay_start_0:
0x0: {  	s2 =	sld [smem:$0x3FD9]  }
0x1: {  	s3 =	sld [smem:$0x3FFE];
	_ =	sdelay $0x1  }
0x2: {  	s1 =	srdreg.scid  }
0x3: {  	s0 =	sand.u32 $0x1, s1  }
0x4: {  	s18 =	sshll.u32 s0, $0xA;
	s2 =	sadd.s32 s3, s2  }
0x5: {  	s2 =	sadd.s32 s2, s18  }
0x6: {  	[smem:$0x3FC7] =	sst s2  }
0x7: {  	_ = 	snop  }
0x8: {  	s2 =	sld [smem:$0x3FD0];
	(tm) =	ssettm $0x1  }
0x9: {  	s19 =	sld [smem:$0x3FFB];
	_ =	sdelay $0x3  }
0xa: {  	_ =	strace s19  }
0xb: {  	s3 =	sld [smem:$0x3FFC];
	_ =	sdelay $0x3  }
0xc: {  	_ =	strace s3  }
0xd: {  	s3 =	sld [smem:$0x3FFD];
	_ =	sdelay $0x3  }
0xe: {  	_ =	strace s3  }
0xf: {  	_ =	strace $0x8FFFFFFF  }
0x10: {  	s20 =	sld [smem:$0x3FDB];
	_ =	sdelay $0x1  }
0x11: {  	s4 =	simm.s32 $_scs_section_size  }
0x12: {  	s5 =	simm.s32 $_size__tile_overlayer_lowered;
	s6 =	simm.s32 $_tile_overlayer_lowered  }
0x13: {  	s23 =	simm.s32 $0x1BFF;
	s22 =	sshll.u32 s6, $0x1;
	s3 =	sadd.s32 s4, s20  }
0x14: {  	s7 =	simm.s32 $0x0;
	s21 =	sshll.u32 s5, $0x1;
	s5 =	sadd.s32 s22, s3  }
0x15: {  	[timem:s7], [sflag:s23] =	dma.local [hbm:s5], s21  }
0x16: {  	_ =	swait.ge [sflag:s23], s21  }
0x17: {  	s4 =	ssub.s32 $0x0, s21;
	[sflag:s23] =	ssyncset.done $0x0  }
0x18: {  	[sflag:s23] =	ssyncadd.s32 s4;
	_ =	sdelay $0x1  }
0x19: {  	s24 =	simm.s32 $0x1B8B  }
0x1a: {  	_ =	swait.ge [sflag:s24], $0x1  }
0x1b: {  	[sflag:s24] =	ssyncset.done $0x0  }
0x1c: {  	s26 =	simm.s32 $0x1B8E;
	s25 =	sld [smem:$0x3FFE];
	[sflag:s24] =	ssyncadd.s32 $0xFFFFFFFF  }
0x1d: {  	s27 =	simm.s32 $execute0_lowered;
	[smem:$0x3FD2] =	sst s26  }
0x1e: {  	s5 =	sshll.u32 s27, $0x1;
	_ =	strace $0x80000049;
	[dreg:$0x1] =	wrdreg $0xFFFFFFFF  }
0x1f: {  	s28 =	simm.s32 $_size_execute0_lowered;
	s3 =	sadd.s32 s3, s5;
	[dreg:$0x0] =	wrdreg $0x0  }
0x20: {  	s5 =	sshll.u32 s28, $0x1;
	[dreg:$0x2] =	wrdreg s3  }
0x21: {  	[dreg:$0x3] =	wrdreg s5  }
0x22: {  	[dreg:$0x4] =	wrdreg $0xC0  }
0x23: {  	_ =	task [dreg:s7], $0x5FFFF  }
0x24: {  	[dreg:$0x1] =	wrdreg $0xFFFFFFFF  }
0x25: {  	[dreg:$0x0] =	wrdreg $0x60  }
0x26: {  	[dreg:$0x2] =	wrdreg s25  }
0x27: {  	[dreg:$0x3] =	wrdreg s2  }
0x28: {  	[dreg:$0x4] =	wrdreg $0x9  }
0x29: {  	_ =	task.clear_ibuf [dreg:s7], $0x5FFFF;
	_ =	strace $0x90000049  }
0x2a: {  	s29 =	simm.s32 $0x9;
	_ =	strace $0x8000004B  }
0x2b: {  	_ =	swait.ge [sflag:s29], $0x1  }
0x2c: {  	[sflag:s29] =	ssyncadd.s32 $0xFFFFFFFF  }
0x2d: {  	_ =	strace $0x9000004B  }
0x2e: {  	_ =	sfence  }
0x2f: {  	s30 =	sld [smem:$0x0];
	_ =	sdelay $0x2  }
0x30: {  	s31 =	sshll.u32 s1, $0xD;
	s1 =	sshrl.u32 s1, $0x2  }
0x31: {  	s3 =	sand.u32 $0x4000, s31;
	s1 =	sadd.s32 s1, s30  }
0x32: {  	s0 =	sor.u32 s3, s0;
	s1 =	sshll.u32 s1, $0x11  }
0x33: {  	s0 =	sor.u32 s1, s0  }
0x34: {  	s0 =	sadd.s32 $0x8F2B, s0  }
0x35: {  	[sflag:s0] =	ssyncadd.remote.s32 $0x1  }
0x36: {  	_ =	sfence.sel $0xFFFF  }
0x37: {  	[dreg:$0x0] =	wrdreg $0xFFFFFFFF;
	(pc) =	sbr.abs _section_cstart, $3  }
0x38: {  	[dreg:$0x1] =	wrdreg $0xFFFFFFFF  }
0x39: {  	_ =	task.clear_ibuf [dreg:s7], $0x2FFFF;
	_ =	strace $0x9FFFFFFF  }
0x3a: {  	(tm) =	ssettm $0x7FFFFFFF  }
0x3b: {  	_ =	shalt  }
tec
execute0_lowered:
.L_overlay_start_1:
0x0: {  	(tag) =	ssettag $0x1  }
0x1: {  	s1 =	rddreg [dreg:$0x0]  }
0x2: {  	s2 =	rddreg [dreg:$0x1]  }
0x3: {  	s0 =	rddreg [dreg:$0x2]  }
0x4: {  	s4 =	srdreg.scid;
	_ =	strace $0x8000004A;
	s6 =	simm.s32 $0x2  }
0x5: {  	s12 =	simm.s32 $0x0;
	p0 =	por $0x0, $0x0;
	s13 =	simm.s32 $0x0  }
.Ltmp0:
0x6: {  	s8 =	simm.s32 $0x0;
	s9 =	simm.s32 $0x0;
	(pc) =	sbr.rel .LBB1_1-.Ltmp0, $4  }
0x7: {  	s10 =	simm.s32 $0x0;
	s3 =	sadd.s32 $0x800, s1;
	s4 =	sshll.u32 s4, $0x4  }
0x8: {  	s1 =	stileid.u32;
	s5 =	sand.u32 $0x10, s4;
	s4 =	simm.s32 $0x1  }
0x9: {  	s7 =	simm.s32 $0x0;
	s5 =	sor.u32 s1, s5;
	[sflag:s4] =	ssyncpa.u1 $0x0  }
0xa: {  	[sflag:s6] =	ssyncpa.u1 $0x0;
	s6 =	simm.s32 $0x80000;
	s11 =	smov.u32 s5  }
.LBB1_5:
0xb: {  	p1 =	slt.u32 s7, $0x2  }
0xc: {  	s15 =	smov.u32 s13;
	p2 =	sgt.s32 @!p1 s13, $0x3FF;
	s14 =	sshra.s32 @!p1 s13, $0x1F  }
0xd: {  	p3 =	sgt.s32 @!p1 s12, $0x180;
	s16 =	sshra.s32 @!p1 s12, $0x1F;
	p2 =	por !p2, p1  }
0xe: {  	s13 =	sand.u32 @!p1 s14, s13;
	p3 =	por !p3, p1;
	s14 =	smov.u32 s12  }
0xf: {  	s12 =	sand.u32 @!p1 s16, s12;
	s15 =	simm.s32 @p2 $0x3FF;
	s14 =	simm.s32 @p3 $0x180  }
0x10: {  	s16 =	smov.u32 s11;
	s13 =	ssub.s32 @!p1 s15, s13;
	s12 =	ssub.s32 @!p1 s14, s12  }
0x11: {  	s14 =	sadd.s32 @!p1 $0xFFFFFC01, s13;
	s13 =	ssub.s32 @!p1 $0x400, s13;
	s15 =	sadd.s32 @!p1 $0xFFFFFE80, s12  }
0x12: {  	p2 =	sgt.s32 @!p1 s14, $0x0;
	s13 =	smul.u32 @!p1 $0x64, s13;
	p3 =	sgt.s32 @!p1 s15, $0x7F  }
0x13: {  	s12 =	ssub.s32 @!p1 $0x200, s12;
	p2 =	por !p2, p1;
	p3 =	por !p3, p1  }
0x14: {  	s14 =	sadd.s32 $0x80, s10;
	s13 =	simm.s32 @!p2 $0x0;
	s12 =	simm.s32 @!p3 $0x0  }
0x15: {  	p2 =	sgt.s32 s14, $0x1FF;
	s12 =	smul.u32 @!p1 s12, s13;
	s13 =	sadd.s32 $0x20, s11  }
0x16: {  	s16 =	smov.u32 @p2 s13  }
0x17: {  	s7 =	sadd.s32 $0x1, s7;
	s14 =	simm.s32 @p2 $0x0;
	p2 =	sgt.s32 s16, $0x3FF  }
0x18: {  	s16 =	smov.u32 @p2 s5;
	p2 =	sne.s32 s7, $0x82  }
.Ltmp1:
0x19: {  	p0 =	por !p0, !p0;
	(pc) =	sbr.rel @!p2 .LBB1_6-.Ltmp1, $4  }
0x1a: {  	s15 =	simm.s32 @!p1 $0x2;
	s13 =	smov.u32 s9;
	s12 =	sand.u32 @!p1 $0x3FFFFFFC, s12  }
0x1b: {  	s9 =	smov.u32 s11;
	_ =	swait.ge @!p1 [sflag:s15], s12;
	s17 =	ssub.s32 @!p1 $0x0, s12  }
0x1c: {  	s12 =	smov.u32 s8;
	s8 =	smov.u32 s10;
	[sflag:s15] =	ssyncset.done @!p1 $0x0  }
0x1d: {  	s10 =	smov.u32 s14;
	s11 =	smov.u32 s16;
	[sflag:s15] =	ssyncadd.s32 @!p1 s17  }
.LBB1_1:
0x1e: {  	p1 =	sgt.u32 s7, $0x7F  }
0x1f: {  	s14 =	sxor.u32 @!p1 $0xFFFFFFFF, s7;
	s15 =	sshll.u32 @!p1 s11, $0xD;
	s16 =	sshll.u32 @!p1 s10, $0x4  }
0x20: {  	s14 =	sshll.u32 @!p1 s14, $0xE;
	s16 =	sand.u32 @!p1 $0x1FF0, s16;
	s15 =	sadd.s32 @!p1 s3, s15  }
0x21: {  	s14 =	sand.u32 @!p1 $0x4000, s14;
	s15 =	sadd.s32 @!p1 s16, s15;
	s16 =	simm.s32 @!p1 $0x0  }
0x22: {  	[tilespmem:s14], [sflag:$0x1] =	stream.linear.gather @!p1 [hbm4b:s15+s16], $0x4000, $0x38;
	[tilespmem:$0x10100] =	vst v63  }
0x23: {  	p1 =	seq.s32 s7, $0x0  }
0x24: {  	p2 =	seq.s32 @!p1 s7, $0x81  }
0x25: {  	p1 =	por p1, p2  }
.Ltmp2:
0x26: {  	_ = 	snop;
	(pc) =	sbr.rel @p1 .LBB1_5-.Ltmp2, $1  }
0x27: {  	_ =	sdelay $0x3  }
0x28: {  	s14 =	simm.s32 $0x1  }
0x29: {  	_ =	swait.ge [sflag:s4], $0x4000;
	s14 =	simm.s32 @!p0 $0x0  }
0x2a: {  	[sflag:s4] =	ssyncset.done $0x0;
	s15 =	sshll.u32 s14, $0xE  }
0x2b: {  	[sflag:s4] =	ssyncadd.s32 $0xFFFFC000;
	s15 =	sor.u32 $0x40, s15  }
0x2c: {  	s14 =	smul.u32 $0x10200, s14;
	v0 =	vld [tilespmem:s15+$0x30]  }
0x2d: {  	v1 =	vld [tilespmem:s15+$0xFFFFFFD0]  }
0x2e: {  	s14 =	sshrl.u32 s14, $0x2;
	v5 =	vld [tilespmem:s15+$0xFFFFFFE0]  }
0x2f: {  	v6 =	vld [tilespmem:s15+$0xFFFFFFF0];
	s17 =	sor.u32 $0x8000, s14  }
0x30: {  	s31 =	sand.u32 $0x1, s7;
	v4 =	vld [tilespmem:s15+$0x0];
	s16 =	sadd.s32 $0x0, s17  }
0x31: {  	v3 =	vld [tilespmem:s15+$0x10];
	s14 =	smul.u32 $0x10200, s31;
	[tilespmem:s16+$0x3870 ss:$0x81] =	vst.msk $0xffff, v0  }
0x32: {  	v2 =	vld [tilespmem:s15+$0x20];
	[tilespmem:s16+$0x810 ss:$0x81] =	vst.msk $0xffff, v1  }
0x33: {  	s14 =	sshrl.u32 s14, $0x2;
	v0 =	vld [tilespmem:s15+$0xFFFFFFC0];
	[tilespmem:s16+$0x1020 ss:$0x81] =	vst.msk $0xffff, v5;
	s15 =	sadd.s32 $0x80, s15  }
0x34: {  	s18 =	simm.s32 $0x4;
	s19 =	simm.s32 $0x8;
	s14 =	sor.u32 $0x8000, s14;
	[tilespmem:s16+$0x1830 ss:$0x81] =	vst.msk $0xffff, v6;
	v1 =	vld [tilespmem:s15+$0x30]  }
.LBB1_3:
0x35: {  	p1 =	sne.s32 s19, $0x1FC;
	v5 =	vld [tilespmem:s15+$0xFFFFFFD0];
	[tilespmem:s16+$0x2040 ss:$0x81] =	vst.msk $0xffff, v4  }
0x36: {  	v6 =	vld [tilespmem:s15+$0xFFFFFFE0];
	[tilespmem:s16+$0x2850 ss:$0x81] =	vst.msk $0xffff, v3  }
0x37: {  	s20 =	sshra.s32 s18, $0x2;
	s18 =	smov.u32 s19;
	v7 =	vld [tilespmem:s15+$0xFFFFFFF0];
	[tilespmem:s16+$0x3060 ss:$0x81] =	vst.msk $0xffff, v2  }
.Ltmp3:
0x38: {  	v4 =	vld [tilespmem:s15+$0x0];
	[tilespmem:s16+$0x0 ss:$0x81] =	vst.msk $0xffff, v0;
	s16 =	sadd.s32 s20, s17;
	(pc) =	sbr.rel @p1 .LBB1_3-.Ltmp3, $4  }
0x39: {  	v3 =	vld [tilespmem:s15+$0x10];
	[tilespmem:s16+$0x3870 ss:$0x81] =	vst.msk $0xffff, v1  }
0x3a: {  	[tilespmem:s16+$0x810 ss:$0x81] =	vst.msk $0xffff, v5;
	v2 =	vld [tilespmem:s15+$0x20]  }
0x3b: {  	v0 =	vld [tilespmem:s15+$0xFFFFFFC0];
	[tilespmem:s16+$0x1020 ss:$0x81] =	vst.msk $0xffff, v6;
	s15 =	sadd.s32 $0x80, s15  }
0x3c: {  	s19 =	sadd.s32 $0x4, s19;
	v1 =	vld [tilespmem:s15+$0x30];
	[tilespmem:s16+$0x1830 ss:$0x81] =	vst.msk $0xffff, v7  }
0x3d: {  	v5 =	vld [tilespmem:s15+$0xFFFFFFD0]  }
0x3e: {  	v58 =	vld [tilespmem:s15+$0xFFFFFFE0]  }
0x3f: {  	s18 =	sshra.s32 s18, $0x2;
	p1 =	sgt.s32 s9, $0x3FF;
	s19 =	smov.u32 s9;
	v59 =	vld [tilespmem:s15+$0xFFFFFFF0]  }
0x40: {  	s20 =	sshra.s32 s9, $0x1F;
	s22 =	sshra.s32 s8, $0x1F;
	v60 =	vld [tilespmem:s15+$0x0];
	s25 =	sshll.u32 s8, $0x3  }
0x41: {  	[tilespmem:s16+$0x2040 ss:$0x81] =	vst.msk $0xffff, v4;
	v61 =	vld [tilespmem:s15+$0x10];
	s27 =	sshll.u32 s9, $0x7;
	s28 =	sand.u32 $0x78, s8;
	s17 =	sadd.s32 s18, s17  }
0x42: {  	v62 =	vld [tilespmem:s15+$0x20];
	s19 =	simm.s32 @!p1 $0x3FF;
	s21 =	sand.u32 s20, s9;
	[tilespmem:s16+$0x2850 ss:$0x81] =	vst.msk $0xffff, v3;
	p1 =	sgt.s32 s8, $0x180  }
0x43: {  	v63 =	vld [tilespmem:s15+$0xFFFFFFC0];
	s20 =	sand.u32 s22, s8;
	s15 =	sand.u32 $0x380, s27;
	s18 =	ssub.s32 s19, s21;
	[tilespmem:s16+$0x3060 ss:$0x81] =	vst.msk $0xffff, v2  }
0x44: {  	s19 =	smov.u32 s8;
	s21 =	sshll.u32 s9, $0x9;
	s15 =	sor.u32 s15, s28;
	[tilespmem:s16+$0x0 ss:$0x81] =	vst.msk $0xffff, v0  }
0x45: {  	s19 =	simm.s32 @!p1 $0x180;
	s23 =	sand.u32 $0x7F000, s21;
	s24 =	ssub.s32 $0x400, s18;
	[tilespmem:s17+$0x3870 ss:$0x81] =	vst.msk $0xffff, v1  }
0x46: {  	s18 =	sadd.s32 $0xFFFFFC01, s18;
	s19 =	ssub.s32 s19, s20;
	s21 =	smul.u32 $0x64, s24;
	[tilespmem:s17+$0x810 ss:$0x81] =	vst.msk $0xffff, v5  }
0x47: {  	s16 =	sadd.s32 s23, s25;
	p1 =	sgt.s32 s18, $0x0;
	s26 =	sadd.s32 $0xFFFFFE80, s19;
	[tilespmem:s17+$0x1020 ss:$0x81] =	vst.msk $0xffff, v58  }
0x48: {  	[tilespmem:s17+$0x1830 ss:$0x81] =	vst.msk $0xffff, v59;
	s19 =	ssub.s32 $0x200, s19;
	s21 =	simm.s32 @p1 $0x0;
	p1 =	sgt.s32 s26, $0x7F  }
.Ltmp4:
0x49: {  	[tilespmem:s17+$0x2040 ss:$0x81] =	vst.msk $0xffff, v60;
	s16 =	sand.u32 $0x7FC00, s16;
	s19 =	simm.s32 @p1 $0x0;
	(pc) =	sbr.rel .LBB1_5-.Ltmp4, $4  }
0x4a: {  	s30 =	sand.u32 $0x7, s8;
	[tilespmem:s17+$0x2850 ss:$0x81] =	vst.msk $0xffff, v61;
	s15 =	sor.u32 s16, s15;
	s29 =	smul.u32 s19, s21  }
0x4b: {  	[tilespmem:s17+$0x3060 ss:$0x81] =	vst.msk $0xffff, v62;
	s16 =	sshll.u32 s30, $0x12;
	s15 =	sshrl.u32 s15, $0x3  }
0x4c: {  	[tilespmem:s17+$0x0 ss:$0x81] =	vst.msk $0xffff, v63;
	s16 =	sor.u32 $0x80, s16;
	s15 =	sadd.s32 s2, s15;
	s31 =	sand.u32 $0x3FFFFFFC, s29  }
0x4d: {  	[hbm4b:s15+s16] =	stream.strided.scatter [tilespmem:s14], [sflag:$0x2], s31, s6, s16, $0x20;
	[tilespmem:$0x10100] =	vst v63  }
.LBB1_6:
0x4e: {  	_ =	sfence.sel $0x180000  }
0x4f: {  	s2 =	simm.s32 $0x1;
	[bflag:$0x0] =	sbarrier.arrive $0xFFFF  }
0x50: {  	s31 =	simm.s32 $0x2;
	[sflag:s2] =	ssyncpa.u1 $0x1  }
0x51: {  	[sflag:s31] =	ssyncpa.u1 $0x1  }
0x52: {  	p0 =	sne.s32 s1, $0x0;
	_ =	strace $0x9000004A  }
0x53: {  	s0 =	sadd.s32 @!p0 $0x100000, s0;
	[bflag:$0x2] =	sbarrier.arrive $0xFFFF  }
0x54: {  	[sflag:s0] =	ssyncadd.tile.s32 @!p0 $0x1;
	_ =	shalt  }
.Lfunc_end1:
_tile_overlayer_lowered:
.L_overlay_start_2:
0x55: {  	(tag) =	ssettag $0x2  }
0x56: {  	s0 =	rddreg [dreg:$0x0];
	s2 =	stileid.u32  }
0x57: {  	s1 =	rddreg [dreg:$0x1];
	p0 =	sne.s32 s2, $0x0  }
0x58: {  	s3 =	rddreg [dreg:$0x2];
	[bflag:$0x3] =	sbarrier.arrive $0xFFFF;
	s2 =	simm.s32 @!p0 $0x1C01  }
0x59: {  	[timem:s3], [sflag:s2] =	dma.local @!p0 [hbm:s0], s1  }
0x5a: {  	s0 =	simm.s32 @!p0 $0x1  }
0x5b: {  	_ =	swait.ge @!p0 [sflag:s0], s1  }
0x5c: {  	s1 =	ssub.s32 @!p0 $0x0, s1;
	[sflag:s0] =	ssyncset.done @!p0 $0x0  }
0x5d: {  	[sflag:s0] =	ssyncadd.s32 @!p0 s1  }
0x5e: {  	[bflag:$0x3] =	sbarrier.arrive $0xFFFF  }
0x5f: {  	_ =	shalt  }

</sc_bundles>
